<compile_context>
chip_gen: v7x
topology: tpu7x:2x2x1
jax: 0.10.2.dev20260603
libtpu: 0.0.44.dev20260713+nightly
codegen_flags: <defaults>
</compile_context>

<pallas_src>
import functools

import jax
import jax.numpy as jnp
from jax import lax
from jax.experimental import pallas as pl
from jax.experimental.pallas import tpu as pltpu
from jax.experimental.pallas import tpu_sc as plsc

_D = 64
_SEQ = 200
_LANES = 16
_PAD = 128

_NC = 2
_NS = 16
_NW = _NC * _NS

_W = 128
_DB = _D // 8
_STRIDE = _D + 1
_TSTRIDE = _W + 1


def _emb_body(batch, ids_hbm, tok_hbm, pos_hbm, out_hbm, idx_all, rows_v,
              tr_v, pos_v, gsem0, gsem1, ssem0, ssem1):
    wid = lax.axis_index("s") * _NC + lax.axis_index("c")
    b0 = wid * _W

    pltpu.sync_copy(ids_hbm.at[:, pl.ds(b0, _W)], idx_all)
    pltpu.sync_copy(pos_hbm, pos_v)

    lane = lax.iota(jnp.int32, _LANES)
    gsems = (gsem0, gsem1)
    ssems = (ssem0, ssem1)

    def fire_gather(s, q):
        pltpu.async_copy(tok_hbm.at[idx_all.at[s]], rows_v.at[q], gsems[q])

    def wait_gather(s, q):
        pltpu.make_async_copy(tok_hbm.at[idx_all.at[s]], rows_v.at[q],
                              gsems[q]).wait()

    def tr_view(p):
        return tr_v.at[p, :, :, pl.ds(0, _W)]

    def fire_store(s, p):
        pltpu.async_copy(tr_view(p), out_hbm.at[s, :, wid, :, :], ssems[p])

    def wait_store(s, p):
        pltpu.make_async_copy(tr_view(p), out_hbm.at[s, :, wid, :, :],
                              ssems[p]).wait()

    def stage(s, p):
        q = 1 - p

        @pl.when(s + 1 < _SEQ)
        def _():
            fire_gather(s + 1, q)

        wait_gather(s, p)

        @pl.when(s >= 2)
        def _():
            wait_store(s - 2, p)

        posk = [pos_v[s, pl.ds(k * _LANES, _LANES)]
                for k in range(_D // _LANES)]
        dbv, d8v = [], []
        for k in range(_D // _LANES):
            d = k * _LANES + lane
            dbv.append(d >> 3)
            d8v.append(d & 7)

        @plsc.parallel_loop(0, _W, unroll=16)
        def blk_body(b):
            bvec = jnp.full((_LANES,), b, jnp.int32)
            for k in range(_D // _LANES):
                v = rows_v[p, b, pl.ds(k * _LANES, _LANES)] + posk[k]
                plsc.store_scatter(tr_v.at[p], [dbv[k], d8v[k], bvec], v)

        fire_store(s, p)

    fire_gather(0, 0)

    def loop_body(i, _):
        stage(2 * i, 0)
        stage(2 * i + 1, 1)
        return 0

    lax.fori_loop(0, _SEQ // 2, loop_body, 0)

    wait_store(_SEQ - 2, 0)
    wait_store(_SEQ - 1, 1)


def _make_lookup(batch):
    mesh = plsc.VectorSubcoreMesh(core_axis_name="c", subcore_axis_name="s")
    return functools.partial(
        pl.kernel,
        out_type=jax.ShapeDtypeStruct((_SEQ, _DB, batch // _W, 8, _W),
                                      jnp.float32),
        mesh=mesh,
        scratch_types=[
            pltpu.VMEM((_SEQ, _W), jnp.int32),
            pltpu.VMEM((2, _W, _PAD), jnp.float32),
            pltpu.VMEM((2, _DB, 8, _TSTRIDE), jnp.float32),
            pltpu.VMEM((_SEQ, _D), jnp.float32),
            pltpu.SemaphoreType.DMA,
            pltpu.SemaphoreType.DMA,
            pltpu.SemaphoreType.DMA,
            pltpu.SemaphoreType.DMA,
        ],
        compiler_params=pltpu.CompilerParams(
            use_tc_tiling_on_sc=False, needs_layout_passes=False),
    )(functools.partial(_emb_body, batch))


def kernel(input_ids, token_table, position_table):
    batch, seq = input_ids.shape
    ids_t = input_ids.astype(jnp.int32).T
    tok_pad = jnp.pad(token_table, ((0, 0), (0, _PAD - _D)))
    out5 = _make_lookup(batch)(ids_t, tok_pad, position_table)
    return out5.transpose(2, 4, 0, 1, 3).reshape(batch, seq, _D)

# --- scband reference (transcript-rebuilt; emitter-appended) ---
"""Pipeline reference for scband-text-embeddings-43817256354156 (READ-ONLY COPY).

The authoritative reference and input builder live on the scoring server;
editing this copy changes nothing except your own understanding.
"""

import jax, jax.numpy as jnp
import numpy as np

VOCAB_SIZE = 1000000
MAX_LENGTH = 200
HIDDEN_DIM = 64
BATCH = 4096
SEQ_LEN = 200


def setup_inputs(seed: int = 0) -> dict:
    key = jax.random.key(seed)
    k_idx, k_tok, k_pos = jax.random.split(key, 3)
    input_ids = jax.random.randint(k_idx, (BATCH, SEQ_LEN), 0, VOCAB_SIZE, dtype=jnp.int64 if jax.config.jax_enable_x64 else jnp.int32)
    token_table = jax.random.normal(k_tok, (VOCAB_SIZE, HIDDEN_DIM), dtype=jnp.float32) * 0.02
    position_table = jax.random.normal(k_pos, (MAX_LENGTH, HIDDEN_DIM), dtype=jnp.float32) * 0.02
    return {"input_ids": input_ids, "token_table": token_table, "position_table": position_table}


def reference(input_ids, token_table, position_table):
    batch_size, sequence_length = input_ids.shape
    position_ids = jnp.arange(sequence_length, dtype=input_ids.dtype)[None, :]
    position_ids = jnp.broadcast_to(position_ids, (batch_size, sequence_length))
    token_embeddings = jnp.take(token_table, input_ids, axis=0)
    position_embeddings = jnp.take(position_table, position_ids, axis=0)
    return token_embeddings + position_embeddings

if __name__ == "__main__":
    import jax
    _d = setup_inputs()
    print(jax.jit(kernel)(*tuple(_d.values())))

</pallas_src>

<mosaic_0001>
#map = affine_map<(d0, d1) -> (0, 0)>
#map1 = affine_map<(d0, d1) -> (0, 0, 0, 0, 0)>
module attributes {stable_mosaic.version = 14 : i64} {
  func.func @_emb_body(%arg0: i32, %arg1: i32, %arg2: memref<200x4096xi32, #tpu.memory_space<hbm>>, %arg3: memref<1000000x128xf32, #tpu.memory_space<hbm>>, %arg4: memref<200x64xf32, #tpu.memory_space<hbm>>, %arg5: memref<200x8x32x8x128xf32, #tpu.memory_space<hbm>>, %arg6: memref<200x128xi32, #tpu.memory_space<vmem>>, %arg7: memref<2x128x128xf32, #tpu.memory_space<vmem>>, %arg8: memref<2x8x8x129xf32, #tpu.memory_space<vmem>>, %arg9: memref<200x64xf32, #tpu.memory_space<vmem>>, %arg10: memref<!tpu.dma_semaphore, #tpu.memory_space<semaphore_mem>>, %arg11: memref<!tpu.dma_semaphore, #tpu.memory_space<semaphore_mem>>, %arg12: memref<!tpu.dma_semaphore, #tpu.memory_space<semaphore_mem>>, %arg13: memref<!tpu.dma_semaphore, #tpu.memory_space<semaphore_mem>>) attributes {dimension_semantics = [#tpu.dimension_semantics<core_parallel>, #tpu.dimension_semantics<subcore_parallel>], iteration_bounds = array<i64: 2, 16>, scalar_prefetch = 0 : i64, scratch_operands = 8 : i64, tpu.core_type = #tpu.core_type<sc_vector_subcore>, window_params = [{transform_indices = #map}, {transform_indices = #map}, {transform_indices = #map}, {transform_indices = #map1}]} {
    %mul3A = arith.constant 2 : i32
    %mul3A_0 = arith.muli %arg1, %mul3A : i32
    %add3A = arith.addi %mul3A_0, %arg0 : i32
    %mul3A_1 = arith.constant 128 : i32
    %mul3A_2 = arith.muli %add3A, %mul3A_1 : i32
    "tpu.region"() ({
      %run_scoped3A = tpu.sem_alloc : memref<!tpu.dma_semaphore, #tpu.memory_space<semaphore_mem>>
      %dma_start3A_63 = arith.constant 0 : i32
      %dma_start3A_64 = tpu.memref_slice %arg2[%dma_start3A_63, %mul3A_2] : memref<200x4096xi32, #tpu.memory_space<hbm>> -> memref<200x128xi32, #tpu.memory_space<hbm>>
      %dma_start3A_65 = arith.constant 0 : i32
      %dma_start3A_66 = tpu.memref_slice %arg2[%dma_start3A_65, %mul3A_2] : memref<200x4096xi32, #tpu.memory_space<hbm>> -> memref<200x128xi32, #tpu.memory_space<hbm>>
      tpu.enqueue_dma source(%dma_start3A_66 : memref<200x128xi32, #tpu.memory_space<hbm>>) target(%arg6 : memref<200x128xi32, #tpu.memory_space<vmem>>) target_semaphore(%run_scoped3A : memref<!tpu.dma_semaphore, #tpu.memory_space<semaphore_mem>>)
      %dma_wait3A_67 = arith.constant 0 : i32
      %dma_wait3A_68 = tpu.memref_slice %arg2[%dma_wait3A_67, %mul3A_2] : memref<200x4096xi32, #tpu.memory_space<hbm>> -> memref<200x128xi32, #tpu.memory_space<hbm>>
      %dma_wait3A_69 = arith.constant 0 : i32
      %dma_wait3A_70 = tpu.memref_slice %arg2[%dma_wait3A_69, %mul3A_2] : memref<200x4096xi32, #tpu.memory_space<hbm>> -> memref<200x128xi32, #tpu.memory_space<hbm>>
      tpu.wait_dma2 semaphore(%run_scoped3A : memref<!tpu.dma_semaphore, #tpu.memory_space<semaphore_mem>>) src(%dma_wait3A_70 : memref<200x128xi32, #tpu.memory_space<hbm>>) dst(%arg6 : memref<200x128xi32, #tpu.memory_space<vmem>>)
      tpu.yield
    }) : () -> ()
    "tpu.region"() ({
      %run_scoped3A = tpu.sem_alloc : memref<!tpu.dma_semaphore, #tpu.memory_space<semaphore_mem>>
      tpu.enqueue_dma source(%arg4 : memref<200x64xf32, #tpu.memory_space<hbm>>) target(%arg9 : memref<200x64xf32, #tpu.memory_space<vmem>>) target_semaphore(%run_scoped3A : memref<!tpu.dma_semaphore, #tpu.memory_space<semaphore_mem>>)
      tpu.wait_dma2 semaphore(%run_scoped3A : memref<!tpu.dma_semaphore, #tpu.memory_space<semaphore_mem>>) src(%arg4 : memref<200x64xf32, #tpu.memory_space<hbm>>) dst(%arg9 : memref<200x64xf32, #tpu.memory_space<vmem>>)
      tpu.yield
    }) : () -> ()
    %iota3A = tpu.iota {dimensions = array<i32: 0>} : vector<16xi32>
    %dma_start3A = arith.constant 0 : i32
    %dma_start3A_3 = arith.constant 0 : i32
    %dma_start3A_4 = arith.constant 0 : i32
    %dma_start3A_5 = arith.constant 0 : i32
    %dma_start3A_6 = tpu.memref_slice %arg7[%dma_start3A_3, %dma_start3A_4, %dma_start3A_5] : memref<2x128x128xf32, #tpu.memory_space<vmem>> -> memref<1x128x128xf32, #tpu.memory_space<vmem>>
    %dma_start3A_7 = tpu.memref_squeeze %dma_start3A_6 : memref<1x128x128xf32, #tpu.memory_space<vmem>> -> memref<128x128xf32, #tpu.memory_space<vmem>>
    %dma_start3A_8 = arith.constant 0 : i32
    %dma_start3A_9 = tpu.memref_slice %arg6[%dma_start3A, %dma_start3A_8] : memref<200x128xi32, #tpu.memory_space<vmem>> -> memref<1x128xi32, #tpu.memory_space<vmem>>
    %dma_start3A_10 = tpu.memref_squeeze %dma_start3A_9 : memref<1x128xi32, #tpu.memory_space<vmem>> -> memref<128xi32, #tpu.memory_space<vmem>>
    %dma_start3A_11 = arith.constant 0 : i32
    %dma_start3A_12 = arith.constant 0 : i32
    %dma_start3A_13 = tpu.memref_slice %arg3[%dma_start3A_11, %dma_start3A_12] : memref<1000000x128xf32, #tpu.memory_space<hbm>> -> memref<1000000x128xf32, #tpu.memory_space<hbm>>
    tpu.enqueue_indirect_dma source(%dma_start3A_13 : memref<1000000x128xf32, #tpu.memory_space<hbm>>) target(%dma_start3A_7 : memref<128x128xf32, #tpu.memory_space<vmem>>) offsets(%dma_start3A_10 : memref<128xi32, #tpu.memory_space<vmem>>) semaphore(%arg10 : memref<!tpu.dma_semaphore, #tpu.memory_space<semaphore_mem>>)
    %scan3A = arith.constant 0 : i32
    %scan3A_14 = arith.constant 0 : i32
    %scan3A_15 = arith.constant 100 : i32
    %scan3A_16 = arith.addi %scan3A_14, %scan3A_15 : i32
    %scan3A_17 = arith.constant 1 : i32
    %scan3A_18 = scf.for %scan3A_63 = %scan3A_14 to %scan3A_16 step %scan3A_17 iter_args(%scan3A_64 = %scan3A) -> (i32)  : i32 {
      %mul3A_65 = arith.constant 2 : i32
      %mul3A_66 = arith.muli %mul3A_65, %scan3A_63 : i32
      %add3A_67 = arith.constant 1 : i32
      %add3A_68 = arith.addi %mul3A_66, %add3A_67 : i32
      %lt3A = arith.constant 200 : i32
      %lt3A_69 = arith.cmpi slt, %add3A_68, %lt3A : i32
      %convert_element_type3A = arith.extui %lt3A_69 : i1 to i32
      %cond3A = arith.constant 0 : i32
      %cond3A_70 = arith.cmpi ne, %convert_element_type3A, %cond3A : i32
      scf.if %cond3A_70 {
        %add3A_254 = arith.constant 1 : i32
        %add3A_255 = arith.addi %mul3A_66, %add3A_254 : i32
        %dma_start3A_256 = arith.constant 1 : i32
        %dma_start3A_257 = arith.constant 0 : i32
        %dma_start3A_258 = arith.constant 0 : i32
        %dma_start3A_259 = tpu.memref_slice %arg7[%dma_start3A_256, %dma_start3A_257, %dma_start3A_258] : memref<2x128x128xf32, #tpu.memory_space<vmem>> -> memref<1x128x128xf32, #tpu.memory_space<vmem>>
        %dma_start3A_260 = tpu.memref_squeeze %dma_start3A_259 : memref<1x128x128xf32, #tpu.memory_space<vmem>> -> memref<128x128xf32, #tpu.memory_space<vmem>>
        %dma_start3A_261 = arith.constant 0 : i32
        %dma_start3A_262 = tpu.memref_slice %arg6[%add3A_255, %dma_start3A_261] : memref<200x128xi32, #tpu.memory_space<vmem>> -> memref<1x128xi32, #tpu.memory_space<vmem>>
        %dma_start3A_263 = tpu.memref_squeeze %dma_start3A_262 : memref<1x128xi32, #tpu.memory_space<vmem>> -> memref<128xi32, #tpu.memory_space<vmem>>
        %dma_start3A_264 = arith.constant 0 : i32
        %dma_start3A_265 = arith.constant 0 : i32
        %dma_start3A_266 = tpu.memref_slice %arg3[%dma_start3A_264, %dma_start3A_265] : memref<1000000x128xf32, #tpu.memory_space<hbm>> -> memref<1000000x128xf32, #tpu.memory_space<hbm>>
        tpu.enqueue_indirect_dma source(%dma_start3A_266 : memref<1000000x128xf32, #tpu.memory_space<hbm>>) target(%dma_start3A_260 : memref<128x128xf32, #tpu.memory_space<vmem>>) offsets(%dma_start3A_263 : memref<128xi32, #tpu.memory_space<vmem>>) semaphore(%arg11 : memref<!tpu.dma_semaphore, #tpu.memory_space<semaphore_mem>>)
      } else {
      }
      %dma_wait3A_71 = arith.constant 0 : i32
      %dma_wait3A_72 = arith.constant 0 : i32
      %dma_wait3A_73 = arith.constant 0 : i32
      %dma_wait3A_74 = tpu.memref_slice %arg7[%dma_wait3A_71, %dma_wait3A_72, %dma_wait3A_73] : memref<2x128x128xf32, #tpu.memory_space<vmem>> -> memref<1x128x128xf32, #tpu.memory_space<vmem>>
      %dma_wait3A_75 = tpu.memref_squeeze %dma_wait3A_74 : memref<1x128x128xf32, #tpu.memory_space<vmem>> -> memref<128x128xf32, #tpu.memory_space<vmem>>
      %dma_wait3A_76 = arith.constant 0 : i32
      %dma_wait3A_77 = tpu.memref_slice %arg6[%mul3A_66, %dma_wait3A_76] : memref<200x128xi32, #tpu.memory_space<vmem>> -> memref<1x128xi32, #tpu.memory_space<vmem>>
      %dma_wait3A_78 = tpu.memref_squeeze %dma_wait3A_77 : memref<1x128xi32, #tpu.memory_space<vmem>> -> memref<128xi32, #tpu.memory_space<vmem>>
      %dma_wait3A_79 = arith.constant 0 : i32
      %dma_wait3A_80 = arith.constant 0 : i32
      %dma_wait3A_81 = tpu.memref_slice %arg3[%dma_wait3A_79, %dma_wait3A_80] : memref<1000000x128xf32, #tpu.memory_space<hbm>> -> memref<1000000x128xf32, #tpu.memory_space<hbm>>
      tpu.wait_indirect_dma semaphore(%arg10 : memref<!tpu.dma_semaphore, #tpu.memory_space<semaphore_mem>>) src(%dma_wait3A_81 : memref<1000000x128xf32, #tpu.memory_space<hbm>>) dst(%dma_wait3A_75 : memref<128x128xf32, #tpu.memory_space<vmem>>)
      %ge3A = arith.constant 2 : i32
      %ge3A_82 = arith.cmpi sge, %mul3A_66, %ge3A : i32
      %convert_element_type3A_83 = arith.extui %ge3A_82 : i1 to i32
      %cond3A_84 = arith.constant 0 : i32
      %cond3A_85 = arith.cmpi ne, %convert_element_type3A_83, %cond3A_84 : i32
      scf.if %cond3A_85 {
        %sub3A = arith.constant 2 : i32
        %sub3A_254 = arith.subi %mul3A_66, %sub3A : i32
        %dma_wait3A_255 = arith.constant 0 : i32
        %dma_wait3A_256 = arith.constant 0 : i32
        %dma_wait3A_257 = arith.constant 0 : i32
        %dma_wait3A_258 = arith.constant 0 : i32
        %dma_wait3A_259 = tpu.memref_slice %arg8[%dma_wait3A_255, %dma_wait3A_256, %dma_wait3A_257, %dma_wait3A_258] : memref<2x8x8x129xf32, #tpu.memory_space<vmem>> -> memref<1x8x8x128xf32, #tpu.memory_space<vmem>>
        %dma_wait3A_260 = tpu.memref_squeeze %dma_wait3A_259 : memref<1x8x8x128xf32, #tpu.memory_space<vmem>> -> memref<8x8x128xf32, #tpu.memory_space<vmem>>
        %dma_wait3A_261 = arith.constant 0 : i32
        %dma_wait3A_262 = arith.constant 0 : i32
        %dma_wait3A_263 = arith.constant 0 : i32
        %dma_wait3A_264 = tpu.memref_slice %arg5[%sub3A_254, %dma_wait3A_261, %add3A, %dma_wait3A_262, %dma_wait3A_263] : memref<200x8x32x8x128xf32, #tpu.memory_space<hbm>> -> memref<1x8x1x8x128xf32, #tpu.memory_space<hbm>>
        %dma_wait3A_265 = tpu.memref_squeeze %dma_wait3A_264 : memref<1x8x1x8x128xf32, #tpu.memory_space<hbm>> -> memref<8x8x128xf32, #tpu.memory_space<hbm>>
        %dma_wait3A_266 = arith.constant 0 : i32
        %dma_wait3A_267 = arith.constant 0 : i32
        %dma_wait3A_268 = arith.constant 0 : i32
        %dma_wait3A_269 = tpu.memref_slice %arg5[%sub3A_254, %dma_wait3A_266, %add3A, %dma_wait3A_267, %dma_wait3A_268] : memref<200x8x32x8x128xf32, #tpu.memory_space<hbm>> -> memref<1x8x1x8x128xf32, #tpu.memory_space<hbm>>
        %dma_wait3A_270 = tpu.memref_squeeze %dma_wait3A_269 : memref<1x8x1x8x128xf32, #tpu.memory_space<hbm>> -> memref<8x8x128xf32, #tpu.memory_space<hbm>>
        %dma_wait3A_271 = arith.constant 0 : i32
        %dma_wait3A_272 = arith.constant 0 : i32
        %dma_wait3A_273 = arith.constant 0 : i32
        %dma_wait3A_274 = tpu.memref_slice %arg8[%dma_wait3A_255, %dma_wait3A_271, %dma_wait3A_272, %dma_wait3A_273] : memref<2x8x8x129xf32, #tpu.memory_space<vmem>> -> memref<1x8x8x128xf32, #tpu.memory_space<vmem>>
        %dma_wait3A_275 = tpu.memref_squeeze %dma_wait3A_274 : memref<1x8x8x128xf32, #tpu.memory_space<vmem>> -> memref<8x8x128xf32, #tpu.memory_space<vmem>>
        tpu.wait_dma2 semaphore(%arg12 : memref<!tpu.dma_semaphore, #tpu.memory_space<semaphore_mem>>) src(%dma_wait3A_275 : memref<8x8x128xf32, #tpu.memory_space<vmem>>) dst(%dma_wait3A_270 : memref<8x8x128xf32, #tpu.memory_space<hbm>>)
      } else {
      }
      %get3A = arith.index_cast %mul3A_66 : i32 to index
      %get3A_86 = arith.constant 0 : index
      %get3A_87 = tpu.vector_load %arg9[%get3A, %get3A_86] {strides = array<i32>} : memref<200x64xf32, #tpu.memory_space<vmem>>, vector<16xf32>,
      %get3A_88 = arith.index_cast %mul3A_66 : i32 to index
      %get3A_89 = arith.constant 16 : index
      %get3A_90 = tpu.vector_load %arg9[%get3A_88, %get3A_89] {strides = array<i32>} : memref<200x64xf32, #tpu.memory_space<vmem>>, vector<16xf32>,
      %get3A_91 = arith.index_cast %mul3A_66 : i32 to index
      %get3A_92 = arith.constant 32 : index
      %get3A_93 = tpu.vector_load %arg9[%get3A_91, %get3A_92] {strides = array<i32>} : memref<200x64xf32, #tpu.memory_space<vmem>>, vector<16xf32>,
      %get3A_94 = arith.index_cast %mul3A_66 : i32 to index
      %get3A_95 = arith.constant 48 : index
      %get3A_96 = tpu.vector_load %arg9[%get3A_94, %get3A_95] {strides = array<i32>} : memref<200x64xf32, #tpu.memory_space<vmem>>, vector<16xf32>,
      %add3A_97 = arith.constant 0 : i32
      %add3A_98 = vector.broadcast %add3A_97 : i32 to vector<16xi32>
      %add3A_99 = arith.addi %add3A_98, %iota3A : vector<16xi32>
      %shift_right_arithmetic3A = arith.constant 3 : i32
      %shift_right_arithmetic3A_100 = vector.broadcast %shift_right_arithmetic3A : i32 to vector<16xi32>
      %shift_right_arithmetic3A_101 = arith.shrsi %add3A_99, %shift_right_arithmetic3A_100 : vector<16xi32>
      %and3A = arith.constant 7 : i32
      %and3A_102 = vector.broadcast %and3A : i32 to vector<16xi32>
      %and3A_103 = arith.andi %add3A_99, %and3A_102 : vector<16xi32>
      %add3A_104 = arith.constant 16 : i32
      %add3A_105 = vector.broadcast %add3A_104 : i32 to vector<16xi32>
      %add3A_106 = arith.addi %add3A_105, %iota3A : vector<16xi32>
      %shift_right_arithmetic3A_107 = arith.constant 3 : i32
      %shift_right_arithmetic3A_108 = vector.broadcast %shift_right_arithmetic3A_107 : i32 to vector<16xi32>
      %shift_right_arithmetic3A_109 = arith.shrsi %add3A_106, %shift_right_arithmetic3A_108 : vector<16xi32>
      %and3A_110 = arith.constant 7 : i32
      %and3A_111 = vector.broadcast %and3A_110 : i32 to vector<16xi32>
      %and3A_112 = arith.andi %add3A_106, %and3A_111 : vector<16xi32>
      %add3A_113 = arith.constant 32 : i32
      %add3A_114 = vector.broadcast %add3A_113 : i32 to vector<16xi32>
      %add3A_115 = arith.addi %add3A_114, %iota3A : vector<16xi32>
      %shift_right_arithmetic3A_116 = arith.constant 3 : i32
      %shift_right_arithmetic3A_117 = vector.broadcast %shift_right_arithmetic3A_116 : i32 to vector<16xi32>
      %shift_right_arithmetic3A_118 = arith.shrsi %add3A_115, %shift_right_arithmetic3A_117 : vector<16xi32>
      %and3A_119 = arith.constant 7 : i32
      %and3A_120 = vector.broadcast %and3A_119 : i32 to vector<16xi32>
      %and3A_121 = arith.andi %add3A_115, %and3A_120 : vector<16xi32>
      %add3A_122 = arith.constant 48 : i32
      %add3A_123 = vector.broadcast %add3A_122 : i32 to vector<16xi32>
      %add3A_124 = arith.addi %add3A_123, %iota3A : vector<16xi32>
      %shift_right_arithmetic3A_125 = arith.constant 3 : i32
      %shift_right_arithmetic3A_126 = vector.broadcast %shift_right_arithmetic3A_125 : i32 to vector<16xi32>
      %shift_right_arithmetic3A_127 = arith.shrsi %add3A_124, %shift_right_arithmetic3A_126 : vector<16xi32>
      %and3A_128 = arith.constant 7 : i32
      %and3A_129 = vector.broadcast %and3A_128 : i32 to vector<16xi32>
      %and3A_130 = arith.andi %add3A_124, %and3A_129 : vector<16xi32>
      %parallel_loop3A = arith.constant 0 : i32
      %parallel_loop3A_131 = arith.constant 128 : i32
      %parallel_loop3A_132 = arith.constant 1 : i32
      scf.for %parallel_loop3A_254 = %parallel_loop3A to %parallel_loop3A_131 step %parallel_loop3A_132  : i32 {
        %parallel_loop3A_255 = vector.broadcast %parallel_loop3A_254 : i32 to vector<16xi32>
        %parallel_loop3A_256 = arith.constant 0 : i32
        %parallel_loop3A_257 = arith.index_cast %parallel_loop3A_256 : i32 to index
        %parallel_loop3A_258 = arith.index_cast %parallel_loop3A_254 : i32 to index
        %parallel_loop3A_259 = arith.constant 0 : index
        %parallel_loop3A_260 = tpu.vector_load %arg7[%parallel_loop3A_257, %parallel_loop3A_258, %parallel_loop3A_259] {strides = array<i32>} : memref<2x128x128xf32, #tpu.memory_space<vmem>>, vector<16xf32>,
        %parallel_loop3A_261 = arith.addf %parallel_loop3A_260, %get3A_87 : vector<16xf32>
        %parallel_loop3A_262 = arith.constant 0 : i32
        %parallel_loop3A_263 = arith.constant 0 : i32
        %parallel_loop3A_264 = arith.constant 0 : i32
        %parallel_loop3A_265 = arith.constant 0 : i32
        %parallel_loop3A_266 = tpu.memref_slice %arg8[%parallel_loop3A_262, %parallel_loop3A_263, %parallel_loop3A_264, %parallel_loop3A_265] : memref<2x8x8x129xf32, #tpu.memory_space<vmem>> -> memref<1x8x8x129xf32, #tpu.memory_space<vmem>>
        %parallel_loop3A_267 = tpu.memref_squeeze %parallel_loop3A_266 : memref<1x8x8x129xf32, #tpu.memory_space<vmem>> -> memref<8x8x129xf32, #tpu.memory_space<vmem>>
        tpu.vector_store_idx %parallel_loop3A_267[%shift_right_arithmetic3A_101, %and3A_103, %parallel_loop3A_255], %parallel_loop3A_261 : memref<8x8x129xf32, #tpu.memory_space<vmem>>[vector<16xi32>, vector<16xi32>, vector<16xi32>], vector<16xf32>,
        %parallel_loop3A_268 = arith.constant 0 : i32
        %parallel_loop3A_269 = arith.index_cast %parallel_loop3A_268 : i32 to index
        %parallel_loop3A_270 = arith.index_cast %parallel_loop3A_254 : i32 to index
        %parallel_loop3A_271 = arith.constant 16 : index
        %parallel_loop3A_272 = tpu.vector_load %arg7[%parallel_loop3A_269, %parallel_loop3A_270, %parallel_loop3A_271] {strides = array<i32>} : memref<2x128x128xf32, #tpu.memory_space<vmem>>, vector<16xf32>,
        %parallel_loop3A_273 = arith.addf %parallel_loop3A_272, %get3A_90 : vector<16xf32>
        %parallel_loop3A_274 = arith.constant 0 : i32
        %parallel_loop3A_275 = arith.constant 0 : i32
        %parallel_loop3A_276 = arith.constant 0 : i32
        %parallel_loop3A_277 = arith.constant 0 : i32
        %parallel_loop3A_278 = tpu.memref_slice %arg8[%parallel_loop3A_274, %parallel_loop3A_275, %parallel_loop3A_276, %parallel_loop3A_277] : memref<2x8x8x129xf32, #tpu.memory_space<vmem>> -> memref<1x8x8x129xf32, #tpu.memory_space<vmem>>
        %parallel_loop3A_279 = tpu.memref_squeeze %parallel_loop3A_278 : memref<1x8x8x129xf32, #tpu.memory_space<vmem>> -> memref<8x8x129xf32, #tpu.memory_space<vmem>>
        tpu.vector_store_idx %parallel_loop3A_279[%shift_right_arithmetic3A_109, %and3A_112, %parallel_loop3A_255], %parallel_loop3A_273 : memref<8x8x129xf32, #tpu.memory_space<vmem>>[vector<16xi32>, vector<16xi32>, vector<16xi32>], vector<16xf32>,
        %parallel_loop3A_280 = arith.constant 0 : i32
        %parallel_loop3A_281 = arith.index_cast %parallel_loop3A_280 : i32 to index
        %parallel_loop3A_282 = arith.index_cast %parallel_loop3A_254 : i32 to index
        %parallel_loop3A_283 = arith.constant 32 : index
        %parallel_loop3A_284 = tpu.vector_load %arg7[%parallel_loop3A_281, %parallel_loop3A_282, %parallel_loop3A_283] {strides = array<i32>} : memref<2x128x128xf32, #tpu.memory_space<vmem>>, vector<16xf32>,
        %parallel_loop3A_285 = arith.addf %parallel_loop3A_284, %get3A_93 : vector<16xf32>
        %parallel_loop3A_286 = arith.constant 0 : i32
        %parallel_loop3A_287 = arith.constant 0 : i32
        %parallel_loop3A_288 = arith.constant 0 : i32
        %parallel_loop3A_289 = arith.constant 0 : i32
        %parallel_loop3A_290 = tpu.memref_slice %arg8[%parallel_loop3A_286, %parallel_loop3A_287, %parallel_loop3A_288, %parallel_loop3A_289] : memref<2x8x8x129xf32, #tpu.memory_space<vmem>> -> memref<1x8x8x129xf32, #tpu.memory_space<vmem>>
        %parallel_loop3A_291 = tpu.memref_squeeze %parallel_loop3A_290 : memref<1x8x8x129xf32, #tpu.memory_space<vmem>> -> memref<8x8x129xf32, #tpu.memory_space<vmem>>
        tpu.vector_store_idx %parallel_loop3A_291[%shift_right_arithmetic3A_118, %and3A_121, %parallel_loop3A_255], %parallel_loop3A_285 : memref<8x8x129xf32, #tpu.memory_space<vmem>>[vector<16xi32>, vector<16xi32>, vector<16xi32>], vector<16xf32>,
        %parallel_loop3A_292 = arith.constant 0 : i32
        %parallel_loop3A_293 = arith.index_cast %parallel_loop3A_292 : i32 to index
        %parallel_loop3A_294 = arith.index_cast %parallel_loop3A_254 : i32 to index
        %parallel_loop3A_295 = arith.constant 48 : index
        %parallel_loop3A_296 = tpu.vector_load %arg7[%parallel_loop3A_293, %parallel_loop3A_294, %parallel_loop3A_295] {strides = array<i32>} : memref<2x128x128xf32, #tpu.memory_space<vmem>>, vector<16xf32>,
        %parallel_loop3A_297 = arith.addf %parallel_loop3A_296, %get3A_96 : vector<16xf32>
        %parallel_loop3A_298 = arith.constant 0 : i32
        %parallel_loop3A_299 = arith.constant 0 : i32
        %parallel_loop3A_300 = arith.constant 0 : i32
        %parallel_loop3A_301 = arith.constant 0 : i32
        %parallel_loop3A_302 = tpu.memref_slice %arg8[%parallel_loop3A_298, %parallel_loop3A_299, %parallel_loop3A_300, %parallel_loop3A_301] : memref<2x8x8x129xf32, #tpu.memory_space<vmem>> -> memref<1x8x8x129xf32, #tpu.memory_space<vmem>>
        %parallel_loop3A_303 = tpu.memref_squeeze %parallel_loop3A_302 : memref<1x8x8x129xf32, #tpu.memory_space<vmem>> -> memref<8x8x129xf32, #tpu.memory_space<vmem>>
        tpu.vector_store_idx %parallel_loop3A_303[%shift_right_arithmetic3A_127, %and3A_130, %parallel_loop3A_255], %parallel_loop3A_297 : memref<8x8x129xf32, #tpu.memory_space<vmem>>[vector<16xi32>, vector<16xi32>, vector<16xi32>], vector<16xf32>,
      } {sc.loop_unroll_factor = 16 : i64, sc.parallel_access}
      %dma_start3A_133 = arith.constant 0 : i32
      %dma_start3A_134 = arith.constant 0 : i32
      %dma_start3A_135 = arith.constant 0 : i32
      %dma_start3A_136 = arith.constant 0 : i32
      %dma_start3A_137 = tpu.memref_slice %arg8[%dma_start3A_133, %dma_start3A_134, %dma_start3A_135, %dma_start3A_136] : memref<2x8x8x129xf32, #tpu.memory_space<vmem>> -> memref<1x8x8x128xf32, #tpu.memory_space<vmem>>
      %dma_start3A_138 = tpu.memref_squeeze %dma_start3A_137 : memref<1x8x8x128xf32, #tpu.memory_space<vmem>> -> memref<8x8x128xf32, #tpu.memory_space<vmem>>
      %dma_start3A_139 = arith.constant 0 : i32
      %dma_start3A_140 = arith.constant 0 : i32
      %dma_start3A_141 = arith.constant 0 : i32
      %dma_start3A_142 = tpu.memref_slice %arg5[%mul3A_66, %dma_start3A_139, %add3A, %dma_start3A_140, %dma_start3A_141] : memref<200x8x32x8x128xf32, #tpu.memory_space<hbm>> -> memref<1x8x1x8x128xf32, #tpu.memory_space<hbm>>
      %dma_start3A_143 = tpu.memref_squeeze %dma_start3A_142 : memref<1x8x1x8x128xf32, #tpu.memory_space<hbm>> -> memref<8x8x128xf32, #tpu.memory_space<hbm>>
      %dma_start3A_144 = arith.constant 0 : i32
      %dma_start3A_145 = arith.constant 0 : i32
      %dma_start3A_146 = arith.constant 0 : i32
      %dma_start3A_147 = tpu.memref_slice %arg5[%mul3A_66, %dma_start3A_144, %add3A, %dma_start3A_145, %dma_start3A_146] : memref<200x8x32x8x128xf32, #tpu.memory_space<hbm>> -> memref<1x8x1x8x128xf32, #tpu.memory_space<hbm>>
      %dma_start3A_148 = tpu.memref_squeeze %dma_start3A_147 : memref<1x8x1x8x128xf32, #tpu.memory_space<hbm>> -> memref<8x8x128xf32, #tpu.memory_space<hbm>>
      %dma_start3A_149 = arith.constant 0 : i32
      %dma_start3A_150 = arith.constant 0 : i32
      %dma_start3A_151 = arith.constant 0 : i32
      %dma_start3A_152 = tpu.memref_slice %arg8[%dma_start3A_133, %dma_start3A_149, %dma_start3A_150, %dma_start3A_151] : memref<2x8x8x129xf32, #tpu.memory_space<vmem>> -> memref<1x8x8x128xf32, #tpu.memory_space<vmem>>
      %dma_start3A_153 = tpu.memref_squeeze %dma_start3A_152 : memref<1x8x8x128xf32, #tpu.memory_space<vmem>> -> memref<8x8x128xf32, #tpu.memory_space<vmem>>
      tpu.enqueue_dma source(%dma_start3A_153 : memref<8x8x128xf32, #tpu.memory_space<vmem>>) target(%dma_start3A_148 : memref<8x8x128xf32, #tpu.memory_space<hbm>>) target_semaphore(%arg12 : memref<!tpu.dma_semaphore, #tpu.memory_space<semaphore_mem>>)
      %mul3A_154 = arith.constant 2 : i32
      %mul3A_155 = arith.muli %mul3A_154, %scan3A_63 : i32
      %add3A_156 = arith.constant 1 : i32
      %add3A_157 = arith.addi %mul3A_155, %add3A_156 : i32
      %add3A_158 = arith.constant 1 : i32
      %add3A_159 = arith.addi %add3A_157, %add3A_158 : i32
      %lt3A_160 = arith.constant 200 : i32
      %lt3A_161 = arith.cmpi slt, %add3A_159, %lt3A_160 : i32
      %convert_element_type3A_162 = arith.extui %lt3A_161 : i1 to i32
      %cond3A_163 = arith.constant 0 : i32
      %cond3A_164 = arith.cmpi ne, %convert_element_type3A_162, %cond3A_163 : i32
      scf.if %cond3A_164 {
        %add3A_254 = arith.constant 1 : i32
        %add3A_255 = arith.addi %add3A_157, %add3A_254 : i32
        %dma_start3A_256 = arith.constant 0 : i32
        %dma_start3A_257 = arith.constant 0 : i32
        %dma_start3A_258 = arith.constant 0 : i32
        %dma_start3A_259 = tpu.memref_slice %arg7[%dma_start3A_256, %dma_start3A_257, %dma_start3A_258] : memref<2x128x128xf32, #tpu.memory_space<vmem>> -> memref<1x128x128xf32, #tpu.memory_space<vmem>>
        %dma_start3A_260 = tpu.memref_squeeze %dma_start3A_259 : memref<1x128x128xf32, #tpu.memory_space<vmem>> -> memref<128x128xf32, #tpu.memory_space<vmem>>
        %dma_start3A_261 = arith.constant 0 : i32
        %dma_start3A_262 = tpu.memref_slice %arg6[%add3A_255, %dma_start3A_261] : memref<200x128xi32, #tpu.memory_space<vmem>> -> memref<1x128xi32, #tpu.memory_space<vmem>>
        %dma_start3A_263 = tpu.memref_squeeze %dma_start3A_262 : memref<1x128xi32, #tpu.memory_space<vmem>> -> memref<128xi32, #tpu.memory_space<vmem>>
        %dma_start3A_264 = arith.constant 0 : i32
        %dma_start3A_265 = arith.constant 0 : i32
        %dma_start3A_266 = tpu.memref_slice %arg3[%dma_start3A_264, %dma_start3A_265] : memref<1000000x128xf32, #tpu.memory_space<hbm>> -> memref<1000000x128xf32, #tpu.memory_space<hbm>>
        tpu.enqueue_indirect_dma source(%dma_start3A_266 : memref<1000000x128xf32, #tpu.memory_space<hbm>>) target(%dma_start3A_260 : memref<128x128xf32, #tpu.memory_space<vmem>>) offsets(%dma_start3A_263 : memref<128xi32, #tpu.memory_space<vmem>>) semaphore(%arg10 : memref<!tpu.dma_semaphore, #tpu.memory_space<semaphore_mem>>)
      } else {
      }
      %dma_wait3A_165 = arith.constant 1 : i32
      %dma_wait3A_166 = arith.constant 0 : i32
      %dma_wait3A_167 = arith.constant 0 : i32
      %dma_wait3A_168 = tpu.memref_slice %arg7[%dma_wait3A_165, %dma_wait3A_166, %dma_wait3A_167] : memref<2x128x128xf32, #tpu.memory_space<vmem>> -> memref<1x128x128xf32, #tpu.memory_space<vmem>>
      %dma_wait3A_169 = tpu.memref_squeeze %dma_wait3A_168 : memref<1x128x128xf32, #tpu.memory_space<vmem>> -> memref<128x128xf32, #tpu.memory_space<vmem>>
      %dma_wait3A_170 = arith.constant 0 : i32
      %dma_wait3A_171 = tpu.memref_slice %arg6[%add3A_157, %dma_wait3A_170] : memref<200x128xi32, #tpu.memory_space<vmem>> -> memref<1x128xi32, #tpu.memory_space<vmem>>
      %dma_wait3A_172 = tpu.memref_squeeze %dma_wait3A_171 : memref<1x128xi32, #tpu.memory_space<vmem>> -> memref<128xi32, #tpu.memory_space<vmem>>
      %dma_wait3A_173 = arith.constant 0 : i32
      %dma_wait3A_174 = arith.constant 0 : i32
      %dma_wait3A_175 = tpu.memref_slice %arg3[%dma_wait3A_173, %dma_wait3A_174] : memref<1000000x128xf32, #tpu.memory_space<hbm>> -> memref<1000000x128xf32, #tpu.memory_space<hbm>>
      tpu.wait_indirect_dma semaphore(%arg11 : memref<!tpu.dma_semaphore, #tpu.memory_space<semaphore_mem>>) src(%dma_wait3A_175 : memref<1000000x128xf32, #tpu.memory_space<hbm>>) dst(%dma_wait3A_169 : memref<128x128xf32, #tpu.memory_space<vmem>>)
      %ge3A_176 = arith.constant 2 : i32
      %ge3A_177 = arith.cmpi sge, %add3A_157, %ge3A_176 : i32
      %convert_element_type3A_178 = arith.extui %ge3A_177 : i1 to i32
      %cond3A_179 = arith.constant 0 : i32
      %cond3A_180 = arith.cmpi ne, %convert_element_type3A_178, %cond3A_179 : i32
      scf.if %cond3A_180 {
        %sub3A = arith.constant 2 : i32
        %sub3A_254 = arith.subi %add3A_157, %sub3A : i32
        %dma_wait3A_255 = arith.constant 1 : i32
        %dma_wait3A_256 = arith.constant 0 : i32
        %dma_wait3A_257 = arith.constant 0 : i32
        %dma_wait3A_258 = arith.constant 0 : i32
        %dma_wait3A_259 = tpu.memref_slice %arg8[%dma_wait3A_255, %dma_wait3A_256, %dma_wait3A_257, %dma_wait3A_258] : memref<2x8x8x129xf32, #tpu.memory_space<vmem>> -> memref<1x8x8x128xf32, #tpu.memory_space<vmem>>
        %dma_wait3A_260 = tpu.memref_squeeze %dma_wait3A_259 : memref<1x8x8x128xf32, #tpu.memory_space<vmem>> -> memref<8x8x128xf32, #tpu.memory_space<vmem>>
        %dma_wait3A_261 = arith.constant 0 : i32
        %dma_wait3A_262 = arith.constant 0 : i32
        %dma_wait3A_263 = arith.constant 0 : i32
        %dma_wait3A_264 = tpu.memref_slice %arg5[%sub3A_254, %dma_wait3A_261, %add3A, %dma_wait3A_262, %dma_wait3A_263] : memref<200x8x32x8x128xf32, #tpu.memory_space<hbm>> -> memref<1x8x1x8x128xf32, #tpu.memory_space<hbm>>
        %dma_wait3A_265 = tpu.memref_squeeze %dma_wait3A_264 : memref<1x8x1x8x128xf32, #tpu.memory_space<hbm>> -> memref<8x8x128xf32, #tpu.memory_space<hbm>>
        %dma_wait3A_266 = arith.constant 0 : i32
        %dma_wait3A_267 = arith.constant 0 : i32
        %dma_wait3A_268 = arith.constant 0 : i32
        %dma_wait3A_269 = tpu.memref_slice %arg5[%sub3A_254, %dma_wait3A_266, %add3A, %dma_wait3A_267, %dma_wait3A_268] : memref<200x8x32x8x128xf32, #tpu.memory_space<hbm>> -> memref<1x8x1x8x128xf32, #tpu.memory_space<hbm>>
        %dma_wait3A_270 = tpu.memref_squeeze %dma_wait3A_269 : memref<1x8x1x8x128xf32, #tpu.memory_space<hbm>> -> memref<8x8x128xf32, #tpu.memory_space<hbm>>
        %dma_wait3A_271 = arith.constant 0 : i32
        %dma_wait3A_272 = arith.constant 0 : i32
        %dma_wait3A_273 = arith.constant 0 : i32
        %dma_wait3A_274 = tpu.memref_slice %arg8[%dma_wait3A_255, %dma_wait3A_271, %dma_wait3A_272, %dma_wait3A_273] : memref<2x8x8x129xf32, #tpu.memory_space<vmem>> -> memref<1x8x8x128xf32, #tpu.memory_space<vmem>>
        %dma_wait3A_275 = tpu.memref_squeeze %dma_wait3A_274 : memref<1x8x8x128xf32, #tpu.memory_space<vmem>> -> memref<8x8x128xf32, #tpu.memory_space<vmem>>
        tpu.wait_dma2 semaphore(%arg13 : memref<!tpu.dma_semaphore, #tpu.memory_space<semaphore_mem>>) src(%dma_wait3A_275 : memref<8x8x128xf32, #tpu.memory_space<vmem>>) dst(%dma_wait3A_270 : memref<8x8x128xf32, #tpu.memory_space<hbm>>)
      } else {
      }
      %get3A_181 = arith.index_cast %add3A_157 : i32 to index
      %get3A_182 = arith.constant 0 : index
      %get3A_183 = tpu.vector_load %arg9[%get3A_181, %get3A_182] {strides = array<i32>} : memref<200x64xf32, #tpu.memory_space<vmem>>, vector<16xf32>,
      %get3A_184 = arith.index_cast %add3A_157 : i32 to index
      %get3A_185 = arith.constant 16 : index
      %get3A_186 = tpu.vector_load %arg9[%get3A_184, %get3A_185] {strides = array<i32>} : memref<200x64xf32, #tpu.memory_space<vmem>>, vector<16xf32>,
      %get3A_187 = arith.index_cast %add3A_157 : i32 to index
      %get3A_188 = arith.constant 32 : index
      %get3A_189 = tpu.vector_load %arg9[%get3A_187, %get3A_188] {strides = array<i32>} : memref<200x64xf32, #tpu.memory_space<vmem>>, vector<16xf32>,
      %get3A_190 = arith.index_cast %add3A_157 : i32 to index
      %get3A_191 = arith.constant 48 : index
      %get3A_192 = tpu.vector_load %arg9[%get3A_190, %get3A_191] {strides = array<i32>} : memref<200x64xf32, #tpu.memory_space<vmem>>, vector<16xf32>,
      %add3A_193 = arith.constant 0 : i32
      %add3A_194 = vector.broadcast %add3A_193 : i32 to vector<16xi32>
      %add3A_195 = arith.addi %add3A_194, %iota3A : vector<16xi32>
      %shift_right_arithmetic3A_196 = arith.constant 3 : i32
      %shift_right_arithmetic3A_197 = vector.broadcast %shift_right_arithmetic3A_196 : i32 to vector<16xi32>
      %shift_right_arithmetic3A_198 = arith.shrsi %add3A_195, %shift_right_arithmetic3A_197 : vector<16xi32>
      %and3A_199 = arith.constant 7 : i32
      %and3A_200 = vector.broadcast %and3A_199 : i32 to vector<16xi32>
      %and3A_201 = arith.andi %add3A_195, %and3A_200 : vector<16xi32>
      %add3A_202 = arith.constant 16 : i32
      %add3A_203 = vector.broadcast %add3A_202 : i32 to vector<16xi32>
      %add3A_204 = arith.addi %add3A_203, %iota3A : vector<16xi32>
      %shift_right_arithmetic3A_205 = arith.constant 3 : i32
      %shift_right_arithmetic3A_206 = vector.broadcast %shift_right_arithmetic3A_205 : i32 to vector<16xi32>
      %shift_right_arithmetic3A_207 = arith.shrsi %add3A_204, %shift_right_arithmetic3A_206 : vector<16xi32>
      %and3A_208 = arith.constant 7 : i32
      %and3A_209 = vector.broadcast %and3A_208 : i32 to vector<16xi32>
      %and3A_210 = arith.andi %add3A_204, %and3A_209 : vector<16xi32>
      %add3A_211 = arith.constant 32 : i32
      %add3A_212 = vector.broadcast %add3A_211 : i32 to vector<16xi32>
      %add3A_213 = arith.addi %add3A_212, %iota3A : vector<16xi32>
      %shift_right_arithmetic3A_214 = arith.constant 3 : i32
      %shift_right_arithmetic3A_215 = vector.broadcast %shift_right_arithmetic3A_214 : i32 to vector<16xi32>
      %shift_right_arithmetic3A_216 = arith.shrsi %add3A_213, %shift_right_arithmetic3A_215 : vector<16xi32>
      %and3A_217 = arith.constant 7 : i32
      %and3A_218 = vector.broadcast %and3A_217 : i32 to vector<16xi32>
      %and3A_219 = arith.andi %add3A_213, %and3A_218 : vector<16xi32>
      %add3A_220 = arith.constant 48 : i32
      %add3A_221 = vector.broadcast %add3A_220 : i32 to vector<16xi32>
      %add3A_222 = arith.addi %add3A_221, %iota3A : vector<16xi32>
      %shift_right_arithmetic3A_223 = arith.constant 3 : i32
      %shift_right_arithmetic3A_224 = vector.broadcast %shift_right_arithmetic3A_223 : i32 to vector<16xi32>
      %shift_right_arithmetic3A_225 = arith.shrsi %add3A_222, %shift_right_arithmetic3A_224 : vector<16xi32>
      %and3A_226 = arith.constant 7 : i32
      %and3A_227 = vector.broadcast %and3A_226 : i32 to vector<16xi32>
      %and3A_228 = arith.andi %add3A_222, %and3A_227 : vector<16xi32>
      %parallel_loop3A_229 = arith.constant 0 : i32
      %parallel_loop3A_230 = arith.constant 128 : i32
      %parallel_loop3A_231 = arith.constant 1 : i32
      scf.for %parallel_loop3A_254 = %parallel_loop3A_229 to %parallel_loop3A_230 step %parallel_loop3A_231  : i32 {
        %parallel_loop3A_255 = vector.broadcast %parallel_loop3A_254 : i32 to vector<16xi32>
        %parallel_loop3A_256 = arith.constant 1 : i32
        %parallel_loop3A_257 = arith.index_cast %parallel_loop3A_256 : i32 to index
        %parallel_loop3A_258 = arith.index_cast %parallel_loop3A_254 : i32 to index
        %parallel_loop3A_259 = arith.constant 0 : index
        %parallel_loop3A_260 = tpu.vector_load %arg7[%parallel_loop3A_257, %parallel_loop3A_258, %parallel_loop3A_259] {strides = array<i32>} : memref<2x128x128xf32, #tpu.memory_space<vmem>>, vector<16xf32>,
        %parallel_loop3A_261 = arith.addf %parallel_loop3A_260, %get3A_183 : vector<16xf32>
        %parallel_loop3A_262 = arith.constant 1 : i32
        %parallel_loop3A_263 = arith.constant 0 : i32
        %parallel_loop3A_264 = arith.constant 0 : i32
        %parallel_loop3A_265 = arith.constant 0 : i32
        %parallel_loop3A_266 = tpu.memref_slice %arg8[%parallel_loop3A_262, %parallel_loop3A_263, %parallel_loop3A_264, %parallel_loop3A_265] : memref<2x8x8x129xf32, #tpu.memory_space<vmem>> -> memref<1x8x8x129xf32, #tpu.memory_space<vmem>>
        %parallel_loop3A_267 = tpu.memref_squeeze %parallel_loop3A_266 : memref<1x8x8x129xf32, #tpu.memory_space<vmem>> -> memref<8x8x129xf32, #tpu.memory_space<vmem>>
        tpu.vector_store_idx %parallel_loop3A_267[%shift_right_arithmetic3A_198, %and3A_201, %parallel_loop3A_255], %parallel_loop3A_261 : memref<8x8x129xf32, #tpu.memory_space<vmem>>[vector<16xi32>, vector<16xi32>, vector<16xi32>], vector<16xf32>,
        %parallel_loop3A_268 = arith.constant 1 : i32
        %parallel_loop3A_269 = arith.index_cast %parallel_loop3A_268 : i32 to index
        %parallel_loop3A_270 = arith.index_cast %parallel_loop3A_254 : i32 to index
        %parallel_loop3A_271 = arith.constant 16 : index
        %parallel_loop3A_272 = tpu.vector_load %arg7[%parallel_loop3A_269, %parallel_loop3A_270, %parallel_loop3A_271] {strides = array<i32>} : memref<2x128x128xf32, #tpu.memory_space<vmem>>, vector<16xf32>,
        %parallel_loop3A_273 = arith.addf %parallel_loop3A_272, %get3A_186 : vector<16xf32>
        %parallel_loop3A_274 = arith.constant 1 : i32
        %parallel_loop3A_275 = arith.constant 0 : i32
        %parallel_loop3A_276 = arith.constant 0 : i32
        %parallel_loop3A_277 = arith.constant 0 : i32
        %parallel_loop3A_278 = tpu.memref_slice %arg8[%parallel_loop3A_274, %parallel_loop3A_275, %parallel_loop3A_276, %parallel_loop3A_277] : memref<2x8x8x129xf32, #tpu.memory_space<vmem>> -> memref<1x8x8x129xf32, #tpu.memory_space<vmem>>
        %parallel_loop3A_279 = tpu.memref_squeeze %parallel_loop3A_278 : memref<1x8x8x129xf32, #tpu.memory_space<vmem>> -> memref<8x8x129xf32, #tpu.memory_space<vmem>>
        tpu.vector_store_idx %parallel_loop3A_279[%shift_right_arithmetic3A_207, %and3A_210, %parallel_loop3A_255], %parallel_loop3A_273 : memref<8x8x129xf32, #tpu.memory_space<vmem>>[vector<16xi32>, vector<16xi32>, vector<16xi32>], vector<16xf32>,
        %parallel_loop3A_280 = arith.constant 1 : i32
        %parallel_loop3A_281 = arith.index_cast %parallel_loop3A_280 : i32 to index
        %parallel_loop3A_282 = arith.index_cast %parallel_loop3A_254 : i32 to index
        %parallel_loop3A_283 = arith.constant 32 : index
        %parallel_loop3A_284 = tpu.vector_load %arg7[%parallel_loop3A_281, %parallel_loop3A_282, %parallel_loop3A_283] {strides = array<i32>} : memref<2x128x128xf32, #tpu.memory_space<vmem>>, vector<16xf32>,
        %parallel_loop3A_285 = arith.addf %parallel_loop3A_284, %get3A_189 : vector<16xf32>
        %parallel_loop3A_286 = arith.constant 1 : i32
        %parallel_loop3A_287 = arith.constant 0 : i32
        %parallel_loop3A_288 = arith.constant 0 : i32
        %parallel_loop3A_289 = arith.constant 0 : i32
        %parallel_loop3A_290 = tpu.memref_slice %arg8[%parallel_loop3A_286, %parallel_loop3A_287, %parallel_loop3A_288, %parallel_loop3A_289] : memref<2x8x8x129xf32, #tpu.memory_space<vmem>> -> memref<1x8x8x129xf32, #tpu.memory_space<vmem>>
        %parallel_loop3A_291 = tpu.memref_squeeze %parallel_loop3A_290 : memref<1x8x8x129xf32, #tpu.memory_space<vmem>> -> memref<8x8x129xf32, #tpu.memory_space<vmem>>
        tpu.vector_store_idx %parallel_loop3A_291[%shift_right_arithmetic3A_216, %and3A_219, %parallel_loop3A_255], %parallel_loop3A_285 : memref<8x8x129xf32, #tpu.memory_space<vmem>>[vector<16xi32>, vector<16xi32>, vector<16xi32>], vector<16xf32>,
        %parallel_loop3A_292 = arith.constant 1 : i32
        %parallel_loop3A_293 = arith.index_cast %parallel_loop3A_292 : i32 to index
        %parallel_loop3A_294 = arith.index_cast %parallel_loop3A_254 : i32 to index
        %parallel_loop3A_295 = arith.constant 48 : index
        %parallel_loop3A_296 = tpu.vector_load %arg7[%parallel_loop3A_293, %parallel_loop3A_294, %parallel_loop3A_295] {strides = array<i32>} : memref<2x128x128xf32, #tpu.memory_space<vmem>>, vector<16xf32>,
        %parallel_loop3A_297 = arith.addf %parallel_loop3A_296, %get3A_192 : vector<16xf32>
        %parallel_loop3A_298 = arith.constant 1 : i32
        %parallel_loop3A_299 = arith.constant 0 : i32
        %parallel_loop3A_300 = arith.constant 0 : i32
        %parallel_loop3A_301 = arith.constant 0 : i32
        %parallel_loop3A_302 = tpu.memref_slice %arg8[%parallel_loop3A_298, %parallel_loop3A_299, %parallel_loop3A_300, %parallel_loop3A_301] : memref<2x8x8x129xf32, #tpu.memory_space<vmem>> -> memref<1x8x8x129xf32, #tpu.memory_space<vmem>>
        %parallel_loop3A_303 = tpu.memref_squeeze %parallel_loop3A_302 : memref<1x8x8x129xf32, #tpu.memory_space<vmem>> -> memref<8x8x129xf32, #tpu.memory_space<vmem>>
        tpu.vector_store_idx %parallel_loop3A_303[%shift_right_arithmetic3A_225, %and3A_228, %parallel_loop3A_255], %parallel_loop3A_297 : memref<8x8x129xf32, #tpu.memory_space<vmem>>[vector<16xi32>, vector<16xi32>, vector<16xi32>], vector<16xf32>,
      } {sc.loop_unroll_factor = 16 : i64, sc.parallel_access}
      %dma_start3A_232 = arith.constant 1 : i32
      %dma_start3A_233 = arith.constant 0 : i32
      %dma_start3A_234 = arith.constant 0 : i32
      %dma_start3A_235 = arith.constant 0 : i32
      %dma_start3A_236 = tpu.memref_slice %arg8[%dma_start3A_232, %dma_start3A_233, %dma_start3A_234, %dma_start3A_235] : memref<2x8x8x129xf32, #tpu.memory_space<vmem>> -> memref<1x8x8x128xf32, #tpu.memory_space<vmem>>
      %dma_start3A_237 = tpu.memref_squeeze %dma_start3A_236 : memref<1x8x8x128xf32, #tpu.memory_space<vmem>> -> memref<8x8x128xf32, #tpu.memory_space<vmem>>
      %dma_start3A_238 = arith.constant 0 : i32
      %dma_start3A_239 = arith.constant 0 : i32
      %dma_start3A_240 = arith.constant 0 : i32
      %dma_start3A_241 = tpu.memref_slice %arg5[%add3A_157, %dma_start3A_238, %add3A, %dma_start3A_239, %dma_start3A_240] : memref<200x8x32x8x128xf32, #tpu.memory_space<hbm>> -> memref<1x8x1x8x128xf32, #tpu.memory_space<hbm>>
      %dma_start3A_242 = tpu.memref_squeeze %dma_start3A_241 : memref<1x8x1x8x128xf32, #tpu.memory_space<hbm>> -> memref<8x8x128xf32, #tpu.memory_space<hbm>>
      %dma_start3A_243 = arith.constant 0 : i32
      %dma_start3A_244 = arith.constant 0 : i32
      %dma_start3A_245 = arith.constant 0 : i32
      %dma_start3A_246 = tpu.memref_slice %arg5[%add3A_157, %dma_start3A_243, %add3A, %dma_start3A_244, %dma_start3A_245] : memref<200x8x32x8x128xf32, #tpu.memory_space<hbm>> -> memref<1x8x1x8x128xf32, #tpu.memory_space<hbm>>
      %dma_start3A_247 = tpu.memref_squeeze %dma_start3A_246 : memref<1x8x1x8x128xf32, #tpu.memory_space<hbm>> -> memref<8x8x128xf32, #tpu.memory_space<hbm>>
      %dma_start3A_248 = arith.constant 0 : i32
      %dma_start3A_249 = arith.constant 0 : i32
      %dma_start3A_250 = arith.constant 0 : i32
      %dma_start3A_251 = tpu.memref_slice %arg8[%dma_start3A_232, %dma_start3A_248, %dma_start3A_249, %dma_start3A_250] : memref<2x8x8x129xf32, #tpu.memory_space<vmem>> -> memref<1x8x8x128xf32, #tpu.memory_space<vmem>>
      %dma_start3A_252 = tpu.memref_squeeze %dma_start3A_251 : memref<1x8x8x128xf32, #tpu.memory_space<vmem>> -> memref<8x8x128xf32, #tpu.memory_space<vmem>>
      tpu.enqueue_dma source(%dma_start3A_252 : memref<8x8x128xf32, #tpu.memory_space<vmem>>) target(%dma_start3A_247 : memref<8x8x128xf32, #tpu.memory_space<hbm>>) target_semaphore(%arg13 : memref<!tpu.dma_semaphore, #tpu.memory_space<semaphore_mem>>)
      %scan3A_253 = arith.constant 0 : i32
      scf.yield %scan3A_253 : i32
    }
    %scan3A_19 = arith.constant 100 : i32
    %dma_wait3A = arith.constant 0 : i32
    %dma_wait3A_20 = arith.constant 198 : i32
    %dma_wait3A_21 = arith.constant 0 : i32
    %dma_wait3A_22 = arith.constant 0 : i32
    %dma_wait3A_23 = arith.constant 0 : i32
    %dma_wait3A_24 = tpu.memref_slice %arg8[%dma_wait3A, %dma_wait3A_21, %dma_wait3A_22, %dma_wait3A_23] : memref<2x8x8x129xf32, #tpu.memory_space<vmem>> -> memref<1x8x8x128xf32, #tpu.memory_space<vmem>>
    %dma_wait3A_25 = tpu.memref_squeeze %dma_wait3A_24 : memref<1x8x8x128xf32, #tpu.memory_space<vmem>> -> memref<8x8x128xf32, #tpu.memory_space<vmem>>
    %dma_wait3A_26 = arith.constant 0 : i32
    %dma_wait3A_27 = arith.constant 0 : i32
    %dma_wait3A_28 = arith.constant 0 : i32
    %dma_wait3A_29 = tpu.memref_slice %arg5[%dma_wait3A_20, %dma_wait3A_26, %add3A, %dma_wait3A_27, %dma_wait3A_28] : memref<200x8x32x8x128xf32, #tpu.memory_space<hbm>> -> memref<1x8x1x8x128xf32, #tpu.memory_space<hbm>>
    %dma_wait3A_30 = tpu.memref_squeeze %dma_wait3A_29 : memref<1x8x1x8x128xf32, #tpu.memory_space<hbm>> -> memref<8x8x128xf32, #tpu.memory_space<hbm>>
    %dma_wait3A_31 = arith.constant 0 : i32
    %dma_wait3A_32 = arith.constant 0 : i32
    %dma_wait3A_33 = arith.constant 0 : i32
    %dma_wait3A_34 = tpu.memref_slice %arg5[%dma_wait3A_20, %dma_wait3A_31, %add3A, %dma_wait3A_32, %dma_wait3A_33] : memref<200x8x32x8x128xf32, #tpu.memory_space<hbm>> -> memref<1x8x1x8x128xf32, #tpu.memory_space<hbm>>
    %dma_wait3A_35 = tpu.memref_squeeze %dma_wait3A_34 : memref<1x8x1x8x128xf32, #tpu.memory_space<hbm>> -> memref<8x8x128xf32, #tpu.memory_space<hbm>>
    %dma_wait3A_36 = arith.constant 0 : i32
    %dma_wait3A_37 = arith.constant 0 : i32
    %dma_wait3A_38 = arith.constant 0 : i32
    %dma_wait3A_39 = tpu.memref_slice %arg8[%dma_wait3A, %dma_wait3A_36, %dma_wait3A_37, %dma_wait3A_38] : memref<2x8x8x129xf32, #tpu.memory_space<vmem>> -> memref<1x8x8x128xf32, #tpu.memory_space<vmem>>
    %dma_wait3A_40 = tpu.memref_squeeze %dma_wait3A_39 : memref<1x8x8x128xf32, #tpu.memory_space<vmem>> -> memref<8x8x128xf32, #tpu.memory_space<vmem>>
    tpu.wait_dma2 semaphore(%arg12 : memref<!tpu.dma_semaphore, #tpu.memory_space<semaphore_mem>>) src(%dma_wait3A_40 : memref<8x8x128xf32, #tpu.memory_space<vmem>>) dst(%dma_wait3A_35 : memref<8x8x128xf32, #tpu.memory_space<hbm>>)
    %dma_wait3A_41 = arith.constant 1 : i32
    %dma_wait3A_42 = arith.constant 199 : i32
    %dma_wait3A_43 = arith.constant 0 : i32
    %dma_wait3A_44 = arith.constant 0 : i32
    %dma_wait3A_45 = arith.constant 0 : i32
    %dma_wait3A_46 = tpu.memref_slice %arg8[%dma_wait3A_41, %dma_wait3A_43, %dma_wait3A_44, %dma_wait3A_45] : memref<2x8x8x129xf32, #tpu.memory_space<vmem>> -> memref<1x8x8x128xf32, #tpu.memory_space<vmem>>
    %dma_wait3A_47 = tpu.memref_squeeze %dma_wait3A_46 : memref<1x8x8x128xf32, #tpu.memory_space<vmem>> -> memref<8x8x128xf32, #tpu.memory_space<vmem>>
    %dma_wait3A_48 = arith.constant 0 : i32
    %dma_wait3A_49 = arith.constant 0 : i32
    %dma_wait3A_50 = arith.constant 0 : i32
    %dma_wait3A_51 = tpu.memref_slice %arg5[%dma_wait3A_42, %dma_wait3A_48, %add3A, %dma_wait3A_49, %dma_wait3A_50] : memref<200x8x32x8x128xf32, #tpu.memory_space<hbm>> -> memref<1x8x1x8x128xf32, #tpu.memory_space<hbm>>
    %dma_wait3A_52 = tpu.memref_squeeze %dma_wait3A_51 : memref<1x8x1x8x128xf32, #tpu.memory_space<hbm>> -> memref<8x8x128xf32, #tpu.memory_space<hbm>>
    %dma_wait3A_53 = arith.constant 0 : i32
    %dma_wait3A_54 = arith.constant 0 : i32
    %dma_wait3A_55 = arith.constant 0 : i32
    %dma_wait3A_56 = tpu.memref_slice %arg5[%dma_wait3A_42, %dma_wait3A_53, %add3A, %dma_wait3A_54, %dma_wait3A_55] : memref<200x8x32x8x128xf32, #tpu.memory_space<hbm>> -> memref<1x8x1x8x128xf32, #tpu.memory_space<hbm>>
    %dma_wait3A_57 = tpu.memref_squeeze %dma_wait3A_56 : memref<1x8x1x8x128xf32, #tpu.memory_space<hbm>> -> memref<8x8x128xf32, #tpu.memory_space<hbm>>
    %dma_wait3A_58 = arith.constant 0 : i32
    %dma_wait3A_59 = arith.constant 0 : i32
    %dma_wait3A_60 = arith.constant 0 : i32
    %dma_wait3A_61 = tpu.memref_slice %arg8[%dma_wait3A_41, %dma_wait3A_58, %dma_wait3A_59, %dma_wait3A_60] : memref<2x8x8x129xf32, #tpu.memory_space<vmem>> -> memref<1x8x8x128xf32, #tpu.memory_space<vmem>>
    %dma_wait3A_62 = tpu.memref_squeeze %dma_wait3A_61 : memref<1x8x8x128xf32, #tpu.memory_space<vmem>> -> memref<8x8x128xf32, #tpu.memory_space<vmem>>
    tpu.wait_dma2 semaphore(%arg13 : memref<!tpu.dma_semaphore, #tpu.memory_space<semaphore_mem>>) src(%dma_wait3A_62 : memref<8x8x128xf32, #tpu.memory_space<vmem>>) dst(%dma_wait3A_57 : memref<8x8x128xf32, #tpu.memory_space<hbm>>)
    return
  }
}

</mosaic_0001>

<sc_bundles>
// kernel: kernel.3.cloned.1.call-start
scs
__scs_entry_jumppad:
0x0: {  	(pc) =	sbr.rel $0x88, $3  }
0x1: {  	(tag) =	ssettag $0x0;
	lr =	simm.s32 $0x1  }
0x2: {  	[smem:$0x3F9E] =	sst lr;
	_ =	strace $0xD0000000  }
0x3: {  	_ = 	snop  }
0x4: {  	_ = 	snop  }
0x5: {  	_ = 	snop  }
0x6: {  	_ = 	snop  }
0x7: {  	_ = 	snop  }
__scs_overlays_trampoline_lowered:
0x8: {  	[smem:$0x3FAD] =	sst s0  }
0x9: {  	[smem:$0x3FAE] =	sst s1  }
0xa: {  	[smem:$0x3FAF] =	sst s2  }
0xb: {  	[smem:$0x3FB0] =	sst s3  }
0xc: {  	[smem:$0x3FB1] =	sst s4  }
0xd: {  	[smem:$0x3FB2] =	sst s5  }
0xe: {  	[smem:$0x3FB3] =	sst s6  }
0xf: {  	[smem:$0x3FB4] =	sst s7  }
0x10: {  	[smem:$0x3FB5] =	sst s8  }
0x11: {  	[smem:$0x3FB6] =	sst s9;
	s0 =	simm.s32 @!p0 $0x0  }
0x12: {  	s1 =	sld [smem:$0x3F9C];
	s0 =	simm.s32 @p0 $0x1  }
0x13: {  	[smem:$0x3FB7] =	sst s0;
	s0 =	simm.s32 @!p1 $0x0  }
0x14: {  	s2 =	sld [smem:$0x3F9B];
	s0 =	simm.s32 @p1 $0x1  }
0x15: {  	[smem:$0x3FB8] =	sst s0;
	s0 =	simm.s32 @!p2 $0x0  }
0x16: {  	s3 =	sld [smem:$0x3FDB];
	s0 =	simm.s32 @p2 $0x1  }
0x17: {  	s4 =	simm.s32 $0x1BF5;
	[smem:$0x3FBA] =	sst s0  }
0x18: {  	s0 =	sld [smem:$0x3F9D];
	_ =	swait.ge [sflag:s4], $0x0  }
0x19: {  	s7 =	sld [smem:$0x3F9E]  }
0x1a: {  	s8 =	sadd.s32 $0xFFFFE003, lr  }
0x1b: {  	s9 =	sadd.s32 $0xFFFFFEF7, lr;
	s5 =	simm.s32 $0xFFFFFFFF;
	p2 =	slt.u32 s8, $0xFFFFF086  }
0x1c: {  	p1 =	slt.u32 s9, $0xF7A;
	s5 =	simm.s32 @!p2 $0x0  }
0x1d: {  	s5 =	simm.s32 @p1 $0x1;
	p0 =	seq.s32 s7, s2  }
0x1e: {  	s7 =	smul.u32 @!p0 $0xF7A, s2;
	p2 =	seq.s32 @!p0 s5, $0x0  }
0x1f: {  	s9 =	smul.u32 $0xF7A, s1;
	s8 =	simm.s32 @!p0 $0x1BF5;
	p2 =	por !p2, p0  }
0x20: {  	[sflag:s8] =	ssyncset.s32 @!p0 $0xFFFFF086;
	s6 =	sadd.s32 @!p0 s3, s7;
	s7 =	simm.s32 @!p0 $0x108  }
0x21: {  	s3 =	sadd.s32 s3, s9;
	s6 =	sadd.s32 @!p0 $0x88, s6;
	s7 =	simm.s32 @p2 $0x1082  }
0x22: {  	[simem:s7], [sflag:s8] =	dma.local @!p0 [hbm:s6], $0xF7A  }
0x23: {  	s9 =	sor.u32 $0xD0000000, s2;
	s6 =	simm.s32 $0x108;
	_ =	swait.ge @!p0 [sflag:s8], $0x0  }
0x24: {  	s3 =	sadd.s32 $0x88, s3;
	s6 =	simm.s32 @!p1 $0x1082;
	[sflag:s4] =	ssyncset.s32 $0xFFFFF086  }
0x25: {  	[simem:s6], [sflag:s4] =	dma.local [hbm:s3], $0xF7A  }
0x26: {  	[smem:$0x3F9E] =	sst s1;
	(tag) =	ssettag s2;
	_ =	strace s9  }
0x27: {  	s1 =	sld [smem:$0x3FAE]  }
0x28: {  	s2 =	sld [smem:$0x3FAF]  }
0x29: {  	s4 =	sld [smem:$0x3FB1]  }
0x2a: {  	p0 =	seq.s32 s5, $0x0;
	s5 =	sld [smem:$0x3FB2]  }
0x2b: {  	s6 =	sld [smem:$0x3FB3]  }
0x2c: {  	s7 =	sld [smem:$0x3FB4]  }
0x2d: {  	s3 =	simm.s32 $0x108;
	s8 =	sld [smem:$0x3FB5]  }
0x2e: {  	s3 =	simm.s32 @!p0 $0x1082;
	s9 =	sld [smem:$0x3FB6]  }
0x2f: {  	lr =	sadd.s32 s0, s3;
	s0 =	sld [smem:$0x3FAD]  }
0x30: {  	s3 =	sld [smem:$0x3FB0]  }
0x31: {  	[smem:$0x3FB9] =	sst s10  }
0x32: {  	s10 =	sld [smem:$0x3FB7];
	_ =	sdelay $0x3  }
0x33: {  	p0 =	seq.s32 s10, $0x1;
	s10 =	sld [smem:$0x3FB9];
	_ =	sdelay $0x3  }
0x34: {  	[smem:$0x3FB9] =	sst s10  }
0x35: {  	s10 =	sld [smem:$0x3FB8];
	_ =	sdelay $0x3  }
0x36: {  	p1 =	seq.s32 s10, $0x1;
	s10 =	sld [smem:$0x3FB9];
	_ =	sdelay $0x3  }
0x37: {  	[smem:$0x3FB9] =	sst s10  }
0x38: {  	s10 =	sld [smem:$0x3FBA]  }
0x39: {  	_ = 	snop;
	(pc) =	sbr.ind lr, $3  }
0x3a: {  	_ = 	snop  }
0x3b: {  	_ = 	snop  }
0x3c: {  	p2 =	seq.s32 s10, $0x1;
	s10 =	sld [smem:$0x3FB9]  }
0x3d: {  	_ =	shalt  }
0x3e: {  	_ =	shalt  }
0x3f: {  	_ =	shalt  }
0x40: {  	_ =	shalt  }
0x41: {  	_ =	shalt  }
0x42: {  	_ =	shalt  }
0x43: {  	_ =	shalt  }
0x44: {  	_ =	shalt  }
0x45: {  	_ =	shalt  }
0x46: {  	_ =	shalt  }
0x47: {  	_ =	shalt  }
0x48: {  	_ =	shalt  }
0x49: {  	_ =	shalt  }
0x4a: {  	_ =	shalt  }
0x4b: {  	_ =	shalt  }
0x4c: {  	_ =	shalt  }
0x4d: {  	_ =	shalt  }
0x4e: {  	_ =	shalt  }
0x4f: {  	_ =	shalt  }
0x50: {  	_ =	shalt  }
0x51: {  	_ =	shalt  }
0x52: {  	_ =	shalt  }
0x53: {  	_ =	shalt  }
0x54: {  	_ =	shalt  }
0x55: {  	_ =	shalt  }
0x56: {  	_ =	shalt  }
0x57: {  	_ =	shalt  }
0x58: {  	_ =	shalt  }
0x59: {  	_ =	shalt  }
0x5a: {  	_ =	shalt  }
0x5b: {  	_ =	shalt  }
0x5c: {  	_ =	shalt  }
0x5d: {  	_ =	shalt  }
0x5e: {  	_ =	shalt  }
0x5f: {  	_ =	shalt  }
0x60: {  	_ =	shalt  }
0x61: {  	_ =	shalt  }
0x62: {  	_ =	shalt  }
0x63: {  	_ =	shalt  }
0x64: {  	_ =	shalt  }
0x65: {  	_ =	shalt  }
0x66: {  	_ =	shalt  }
0x67: {  	_ =	shalt  }
0x68: {  	_ =	shalt  }
0x69: {  	_ =	shalt  }
0x6a: {  	_ =	shalt  }
0x6b: {  	_ =	shalt  }
0x6c: {  	_ =	shalt  }
0x6d: {  	_ =	shalt  }
0x6e: {  	_ =	shalt  }
0x6f: {  	_ =	shalt  }
0x70: {  	_ =	shalt  }
0x71: {  	_ =	shalt  }
0x72: {  	_ =	shalt  }
0x73: {  	_ =	shalt  }
0x74: {  	_ =	shalt  }
0x75: {  	_ =	shalt  }
0x76: {  	_ =	shalt  }
0x77: {  	_ =	shalt  }
0x78: {  	_ =	shalt  }
0x79: {  	_ =	shalt  }
0x7a: {  	_ =	shalt  }
0x7b: {  	_ =	shalt  }
0x7c: {  	_ =	shalt  }
0x7d: {  	_ =	shalt  }
0x7e: {  	_ =	shalt  }
0x7f: {  	_ =	shalt  }
0x80: {  	_ =	shalt  }
0x81: {  	_ =	shalt  }
0x82: {  	_ =	shalt  }
0x83: {  	_ =	shalt  }
0x84: {  	_ =	shalt  }
0x85: {  	_ =	shalt  }
0x86: {  	_ =	shalt  }
0x87: {  	_ =	shalt  }
.Lfunc_end0:
.L_simem_size_0:
called_computation_lowered:
.L_overlay_start_0:
0x88: {  	s2 =	sld [smem:$0x3FD9]  }
0x89: {  	s3 =	sld [smem:$0x3FFE];
	_ =	sdelay $0x1  }
0x8a: {  	s1 =	srdreg.scid  }
0x8b: {  	s0 =	sand.u32 $0x1, s1  }
0x8c: {  	s17 =	sshll.u32 s0, $0xA;
	s2 =	sadd.s32 s3, s2  }
0x8d: {  	s2 =	sadd.s32 s2, s17  }
0x8e: {  	[smem:$0x3FC5] =	sst s2  }
0x8f: {  	_ = 	snop  }
0x90: {  	s2 =	sld [smem:$0x3FD0];
	(tm) =	ssettm $0x1  }
0x91: {  	s18 =	sld [smem:$0x3FFB];
	_ =	sdelay $0x3  }
0x92: {  	_ =	strace s18  }
0x93: {  	s3 =	sld [smem:$0x3FFC];
	_ =	sdelay $0x3  }
0x94: {  	_ =	strace s3  }
0x95: {  	s3 =	sld [smem:$0x3FFD];
	_ =	sdelay $0x3  }
0x96: {  	_ =	strace s3  }
0x97: {  	_ =	strace $0x8FFFFFFF  }
0x98: {  	s19 =	sld [smem:$0x3FDB];
	_ =	sdelay $0x1  }
0x99: {  	s4 =	simm.s32 $_scs_section_size  }
0x9a: {  	s5 =	simm.s32 $_size__tile_overlayer_lowered;
	s6 =	simm.s32 $_tile_overlayer_lowered  }
0x9b: {  	s22 =	simm.s32 $0x1BFF;
	s21 =	sshll.u32 s6, $0x1;
	s3 =	sadd.s32 s4, s19  }
0x9c: {  	s7 =	simm.s32 $0x0;
	s20 =	sshll.u32 s5, $0x1;
	s5 =	sadd.s32 s21, s3  }
0x9d: {  	[timem:s7], [sflag:s22] =	dma.local [hbm:s5], s20  }
0x9e: {  	_ =	swait.ge [sflag:s22], s20  }
0x9f: {  	s4 =	ssub.s32 $0x0, s20;
	[sflag:s22] =	ssyncset.done $0x0  }
0xa0: {  	[sflag:s22] =	ssyncadd.s32 s4;
	_ =	sdelay $0x1  }
0xa1: {  	s23 =	simm.s32 $0x1B8B  }
0xa2: {  	_ =	swait.ge [sflag:s23], $0x1  }
0xa3: {  	[sflag:s23] =	ssyncset.done $0x0  }
0xa4: {  	s25 =	simm.s32 $0x1B8E;
	s24 =	sld [smem:$0x3FFE];
	[sflag:s23] =	ssyncadd.s32 $0xFFFFFFFF  }
0xa5: {  	s26 =	simm.s32 $execute0_lowered;
	[smem:$0x3FD2] =	sst s25  }
0xa6: {  	s5 =	sshll.u32 s26, $0x1;
	_ =	strace $0x80000046;
	[dreg:$0x1] =	wrdreg $0xFFFFFFFF  }
0xa7: {  	s28 =	simm.s32 $_size_execute0_lowered;
	s3 =	sadd.s32 s3, s5;
	[dreg:$0x0] =	wrdreg $0x0  }
0xa8: {  	s5 =	sshll.u32 s28, $0x1;
	[dreg:$0x2] =	wrdreg s3  }
0xa9: {  	[dreg:$0x3] =	wrdreg s5  }
0xaa: {  	[dreg:$0x4] =	wrdreg $0xC0  }
0xab: {  	_ =	task [dreg:s7], $0x5FFFF  }
0xac: {  	[dreg:$0x1] =	wrdreg $0xFFFFFFFF  }
0xad: {  	[dreg:$0x0] =	wrdreg $0x60  }
0xae: {  	[dreg:$0x2] =	wrdreg s24  }
0xaf: {  	[dreg:$0x3] =	wrdreg s2  }
0xb0: {  	[dreg:$0x4] =	wrdreg $0x9  }
0xb1: {  	_ =	task.clear_ibuf [dreg:s7], $0x5FFFF;
	_ =	strace $0x90000046  }
0xb2: {  	s29 =	simm.s32 $0x9;
	_ =	strace $0x80000048  }
0xb3: {  	_ =	swait.ge [sflag:s29], $0x1  }
0xb4: {  	[sflag:s29] =	ssyncadd.s32 $0xFFFFFFFF  }
0xb5: {  	_ =	strace $0x90000048  }
0xb6: {  	_ =	sfence  }
0xb7: {  	s30 =	sld [smem:$0x0];
	_ =	sdelay $0x2  }
0xb8: {  	s31 =	sshll.u32 s1, $0xD;
	s1 =	sshrl.u32 s1, $0x2  }
0xb9: {  	s3 =	sand.u32 $0x4000, s31;
	s1 =	sadd.s32 s1, s30  }
0xba: {  	s0 =	sor.u32 s3, s0;
	s1 =	sshll.u32 s1, $0x11  }
0xbb: {  	s0 =	sor.u32 s1, s0  }
0xbc: {  	s0 =	sadd.s32 $0x8F2B, s0  }
0xbd: {  	[sflag:s0] =	ssyncadd.remote.s32 $0x1  }
0xbe: {  	_ =	sfence.sel $0xFFFF  }
0xbf: {  	[dreg:$0x0] =	wrdreg $0xFFFFFFFF;
	(pc) =	sbr.abs _section_cstart, $3  }
0xc0: {  	[dreg:$0x1] =	wrdreg $0xFFFFFFFF  }
0xc1: {  	_ =	task.clear_ibuf [dreg:s7], $0x2FFFF;
	_ =	strace $0x9FFFFFFF  }
0xc2: {  	(tm) =	ssettm $0x7FFFFFFF  }
0xc3: {  	_ =	shalt  }
tec
execute0_lowered:
.L_overlay_start_1:
0x0: {  	(tag) =	ssettag $0x1  }
0x1: {  	v0 =	vlaneseq.u32  }
0x2: {  	v11 =	vmul.u32 $0x88, v0  }
0x3: {  	s5 =	rddreg [dreg:$0x0]  }
0x4: {  	s1 =	rddreg [dreg:$0x1];
	s3 =	simm.s32 $0x0;
	v0 =	vadd.s32 $0x880, v11  }
0x5: {  	[smem:$0x7FF] =	sst s3;
	[tilespmem:$0x1FE60] =	vst v0;
	v0 =	vor.u32 $0x7, v11  }
0x6: {  	s0 =	rddreg [dreg:$0x2];
	_ =	strace $0x80000047;
	[tilespmem:$0x1FE70] =	vst v0  }
0x7: {  	v13 =	vor.u32 $0x1, v11;
	[tilespmem:$0x1FEA0] =	vst v11  }
0x8: {  	v9 =	vor.u32 $0x2, v11;
	[tilespmem:$0x1FEB0] =	vst v13  }
0x9: {  	v2 =	vor.u32 $0x3, v11;
	[tilespmem:$0x1FEC0] =	vst v9  }
0xa: {  	v21 =	vor.u32 $0x4, v11;
	[tilespmem:$0x1FED0] =	vst v2  }
0xb: {  	v31 =	vor.u32 $0x5, v11;
	[tilespmem:$0x1FEE0] =	vst v21  }
0xc: {  	v6 =	vor.u32 $0x6, v11;
	[tilespmem:$0x1FEF0] =	vst v31  }
0xd: {  	v7 =	vadd.s32 $0x1986, v11;
	[tilespmem:$0x1FF00] =	vst v6  }
0xe: {  	v8 =	vadd.s32 $0x887, v11;
	[tilespmem:$0x1FF10] =	vst v7  }
0xf: {  	v3 =	vadd.s32 $0x1980, v11;
	[tilespmem:$0x1FF20] =	vst v8  }
0x10: {  	v17 =	vadd.s32 $0x1100, v11;
	[tilespmem:$0x1FF30] =	vst v3  }
0x11: {  	v4 =	vadd.s32 $0x1101, v11;
	[tilespmem:$0x1FF40] =	vst v17  }
0x12: {  	v15 =	vadd.s32 $0x1102, v11;
	[tilespmem:$0x1FF50] =	vst v4  }
0x13: {  	v16 =	vadd.s32 $0x1982, v11;
	[tilespmem:$0x1FF60] =	vst v15  }
0x14: {  	v18 =	vadd.s32 $0x1983, v11;
	[tilespmem:$0x1FF70] =	vst v16  }
0x15: {  	s4 =	srdreg.scid;
	v24 =	vadd.s32 $0x1104, v11;
	[tilespmem:$0x1FF80] =	vst v18  }
0x16: {  	s2 =	stileid.u32;
	s10 =	simm.s32 $0x1000;
	s11 =	simm.s32 $0x5;
	v23 =	vadd.s32 $0x1984, v11;
	[tilespmem:$0x1FF90] =	vst v24  }
0x17: {  	s12 =	simm.s32 $0x12800;
	s13 =	simm.s32 $0x6400;
	s14 =	simm.s32 $0xA400;
	v28 =	vadd.s32 $0x1105, v11;
	[tilespmem:$0x1FFA0] =	vst v23  }
0x18: {  	s15 =	simm.s32 $0x1;
	s16 =	simm.s32 $0xE400;
	s17 =	simm.s32 $0x2;
	v32 =	vadd.s32 $0x1106, v11;
	[tilespmem:$0x1FFB0] =	vst v28  }
0x19: {  	s18 =	simm.s32 $0x4;
	s19 =	simm.s32 $0x10600;
	s20 =	simm.s32 $0x3;
	v27 =	vadd.s32 $0x1985, v11;
	[tilespmem:$0x1FFC0] =	vst v32  }
0x1a: {  	s21 =	simm.s32 $0x0;
	s4 =	sand.u32 $0x1, s4;
	s6 =	sshll.u32 s2, $0x1;
	v22 =	vadd.s32 $0x883, v11;
	[tilespmem:$0x1FFD0] =	vst v27  }
0x1b: {  	v1 =	vimm.s32 $0x0;
	vm0 =	vcmask $0x300;
	s7 =	sor.u32 s4, s6;
	s8 =	ssub.s32 $0x2, s4;
	s4 =	sadd.s32 $0xF5C400, s5;
	v5 =	vadd.s32 $0x1981, v11;
	[tilespmem:$0x1FFE0] =	vst v22  }
0x1c: {  	v1 =	vsel vm0, $0x3, v1;
	v14 =	vadd.s32 $0x881, v11;
	s6 =	sshll.u32 s7, $0x4;
	s9 =	sshrl.u32 s8, $0x1;
	s7 =	sshll.u32 s7, $0xA;
	v0 =	vadd.s32 $0x1107, v11;
	[tilespmem:$0x1FFF0] =	vst v5  }
0x1d: {  	v12 =	vadd.s32 $0x882, v11;
	v20 =	vadd.s32 $0x1103, v11;
	s6 =	sadd.s32 s6, s5;
	s5 =	sadd.s32 $0xF5BC00, s5;
	s8 =	ssub.s32 s8, s9;
	[tilespmem:$0x1FE80] =	vst v0;
	v0 =	vadd.s32 $0x1987, v11  }
0x1e: {  	v26 =	vadd.s32 $0x884, v11;
	v30 =	vadd.s32 $0x885, v11;
	v19 =	vadd.s32 $0x886, v11;
	s9 =	simm.s32 $0x80;
	s6 =	sadd.s32 $0xF42C00, s6;
	s8 =	smax.u32 s8, $0x1;
	[tilespmem:$0x1FE90] =	vst v0  }
.LBB2_1:
0x1f: {  	[tilespmem:s3], [sflag:$0x5] =	stream.strided.gather [hbm4b:s6+s9], $0x6400, s10, s9, $0x38;
	[tilespmem:$0x15A00] =	vst v63  }
0x20: {  	_ =	swait.ge [sflag:s11], $0x6400  }
0x21: {  	[sflag:s11] =	ssyncset.done $0x0  }
0x22: {  	[sflag:s11] =	ssyncadd.s32 $0xFFFF9C00  }
0x23: {  	[tilespmem:s12], [sflag:$0x5] =	stream.linear.gather [hbm4b:s5+s3], $0x3200, $0x38;
	[tilespmem:$0x15A00] =	vst v63  }
0x24: {  	_ =	swait.ge [sflag:s11], $0x3200  }
0x25: {  	[sflag:s11] =	ssyncset.done $0x0  }
0x26: {  	s22 =	simm.s32 $0x0;
	[sflag:s11] =	ssyncadd.s32 $0xFFFFCE00  }
0x27: {  	[tilespmem:s13], [sflag:$0x1] =	stream.indirect.gather [hbm4b:s4+s9], $0x80, s3, s9, $0xb8;
	[tilespmem:$0x15A00] =	vst v63  }
.LBB2_2:
0x28: {  	s23 =	sshllo.u32 s22, $0x1;
	s25 =	simm.s32 $0x0  }
0x29: {  	s28 =	simm.s32 $0x2;
	s26 =	simm.s32 $0x3;
	s29 =	simm.s32 $0x4  }
0x2a: {  	s30 =	simm.s32 $0x5;
	s31 =	simm.s32 $0x6;
	s24 =	sshll.u32 s23, $0x7  }
0x2b: {  	v33 =	vmov s25;
	s25 =	simm.s32 $0x1;
	v35 =	vmov s28;
	v36 =	vmov s26;
	s26 =	simm.s32 $0x8;
	s28 =	simm.s32 $0x9  }
0x2c: {  	v37 =	vmov s29;
	v38 =	vmov s30;
	v39 =	vmov s31;
	s29 =	simm.s32 $0xA;
	s30 =	simm.s32 $0xB;
	s24 =	sand.u32 $0x3FFFFF80, s24  }
0x2d: {  	v33 =	vshrl.u32 v33, $0x3;
	v34 =	vmov s25;
	v41 =	vmov s26;
	[tilespmem:s14], [sflag:$0x2] =	stream.indirect.gather [hbm4b:s4+s9], $0x80, s24, s9, $0xb8;
	[tilespmem:$0x15A00] =	vst v63  }
0x2e: {  	p0 =	seq.s32 s22, $0x0;
	s31 =	simm.s32 $0xC;
	v42 =	vmov s28;
	v43 =	vmov s29;
	v44 =	vmov s30;
	_ =	swait.ge [sflag:s15], $0x4000  }
0x2f: {  	s25 =	simm.s32 $0x7;
	v45 =	vmov s31;
	s26 =	simm.s32 $0xD;
	v48 =	vshrl.u32 v35, $0x3;
	v49 =	vshrl.u32 v36, $0x3;
	[sflag:s15] =	ssyncset.done $0x0  }
0x30: {  	s28 =	simm.s32 $0xE;
	v50 =	vshrl.u32 v37, $0x3;
	v38 =	vshrl.u32 v38, $0x3;
	v39 =	vshrl.u32 v39, $0x3;
	s24 =	simm.s32 @!p0 $0x3;
	[sflag:s15] =	ssyncadd.s32 $0xFFFFC000  }
0x31: {  	v40 =	vmov s25;
	v46 =	vmov s26;
	v47 =	vmov s28;
	_ =	swait.ge @!p0 [sflag:s24], $0x2000  }
0x32: {  	s29 =	sshll.u32 s22, $0x7;
	v33 =	vshll.u32 v33, v1;
	v34 =	vshrl.u32 v34, $0x3;
	v41 =	vshrl.u32 v41, $0x3;
	[sflag:s24] =	ssyncset.done @!p0 $0x0  }
0x33: {  	s31 =	simm.s32 $0xF;
	v42 =	vshrl.u32 v42, $0x3;
	s30 =	sand.u32 $0x3FFFFF80, s29;
	v43 =	vshrl.u32 v43, $0x3;
	v45 =	vshrl.u32 v45, $0x3;
	v0 =	vld [tilespmem:$0x1FE70];
	[sflag:s24] =	ssyncadd.s32 @!p0 $0xFFFFE000  }
0x34: {  	v48 =	vshll.u32 v48, v1;
	v62 =	vmov s31;
	v49 =	vshll.u32 v49, v1;
	v36 =	vld [tilespmem:s30+$0x12800]  }
0x35: {  	v52 =	vshll.u32 v50, v1;
	v53 =	vshll.u32 v39, v1;
	v40 =	vshrl.u32 v40, $0x3;
	v35 =	vld [tilespmem:s30+$0x12810]  }
0x36: {  	v25 =	vbroadcast v33, $0x0;
	v51 =	vshll.u32 v34, v1;
	v63 =	vshrl.u32 v62, $0x3;
	s24 =	simm.s32 $0x6800;
	v34 =	vld [tilespmem:s30+$0x12820]  }
0x37: {  	v46 =	vshrl.u32 v46, $0x3;
	v37 =	vshrl.u32 v47, $0x3;
	v50 =	vshll.u32 v63, v1;
	v55 =	vld [tilespmem:s24+$0xFFFFFC00]  }
0x38: {  	v47 =	vshll.u32 v38, v1;
	v58 =	vshll.u32 v41, v1;
	v54 =	vbroadcast v50, $0x0;
	v41 =	vld [tilespmem:s24+$0x380]  }
0x39: {  	v42 =	vshll.u32 v42, v1;
	v10 =	vbroadcast v51, $0x0;
	v59 =	vadd.s32 v11, v25;
	v57 =	vld [tilespmem:s24+$0xFFFFFC80]  }
0x3a: {  	v51 =	vbroadcast v48, $0x0;
	v50 =	vshll.u32 v45, v1;
	v60 =	vld [tilespmem:s24+$0xFFFFFD00];
	v45 =	vadd.s32 v0, v54  }
0x3b: {  	v49 =	vbroadcast v49, $0x0;
	v61 =	vshll.u32 v46, v1;
	v46 =	vadd.s32 v13, v10;
	v48 =	vld [tilespmem:s24+$0xFFFFFD80]  }
0x3c: {  	v29 =	vbroadcast v52, $0x0;
	v63 =	vadd.s32 v9, v51;
	v33 =	vld [tilespmem:s30+$0x12830];
	v55 =	vadd.f32 v55, v36  }
0x3d: {  	v56 =	vshll.u32 v40, v1;
	v39 =	vld [tilespmem:s24+$0xFFFFFE00];
	v52 =	vadd.f32 v41, v36;
	v41 =	vadd.s32 v2, v49  }
0x3e: {  	v62 =	vshll.u32 v37, v1;
	v47 =	vbroadcast v47, $0x0;
	v38 =	vld [tilespmem:s24+$0xFFFFFE80];
	v37 =	vadd.f32 v57, v36;
	[tilespmem:v59+s16+$0x0] =	vst.idx.msk $0xffff, v55  }
0x3f: {  	v53 =	vbroadcast v53, $0x0;
	v40 =	vld [tilespmem:s24+$0xFFFFFF00];
	v57 =	vadd.s32 v21, v29;
	[tilespmem:v45+s16+$0x0] =	vst.idx.msk $0xffff, v52;
	v45 =	vadd.f32 v60, v36  }
0x40: {  	[tilespmem:v46+s16+$0x0] =	vst.idx.msk $0xffff, v37;
	v37 =	vadd.f32 v48, v36;
	v48 =	vbroadcast v56, $0x0;
	v52 =	vadd.s32 v31, v47;
	v60 =	vld [tilespmem:s24+$0xFFFFFF80]  }
0x41: {  	v43 =	vshll.u32 v43, v1;
	v59 =	vadd.s32 v6, v53;
	v55 =	vld [tilespmem:s24+$0x390];
	[tilespmem:v63+s16+$0x0] =	vst.idx.msk $0xffff, v45  }
0x42: {  	v39 =	vadd.f32 v39, v36;
	v56 =	vld [tilespmem:s24+$0x0];
	v45 =	vbroadcast v58, $0x0;
	[tilespmem:v41+s16+$0x0] =	vst.idx.msk $0xffff, v37;
	v41 =	vadd.s32 v0, v48  }
0x43: {  	v46 =	vbroadcast v42, $0x0;
	v58 =	vadd.s32 v8, v54;
	v37 =	vadd.f32 v38, v36;
	v63 =	vld [tilespmem:s24+$0x80]  }
0x44: {  	[tilespmem:v57+s16+$0x0] =	vst.idx.msk $0xffff, v39;
	v38 =	vadd.f32 v40, v36;
	v57 =	vadd.s32 v11, v45  }
0x45: {  	v42 =	vbroadcast v43, $0x0;
	[tilespmem:v52+s16+$0x0] =	vst.idx.msk $0xffff, v37;
	v52 =	vadd.s32 v13, v46;
	v40 =	vadd.f32 v60, v36  }
0x46: {  	v44 =	vshrl.u32 v44, $0x3;
	[tilespmem:v59+s16+$0x0] =	vst.idx.msk $0xffff, v38;
	v43 =	vadd.f32 v55, v35  }
0x47: {  	v59 =	vadd.s32 v9, v42;
	v9 =	vbroadcast v50, $0x0;
	v50 =	vadd.f32 v56, v36;
	[tilespmem:v41+s16+$0x0] =	vst.idx.msk $0xffff, v40  }
0x48: {  	v44 =	vshll.u32 v44, v1;
	v39 =	vld [tilespmem:s24+$0x100];
	v41 =	vadd.f32 v63, v36;
	[tilespmem:v58+s16+$0x0] =	vst.idx.msk $0xffff, v43  }
0x49: {  	v44 =	vbroadcast v44, $0x0;
	v37 =	vld [tilespmem:s24+$0x180];
	[tilespmem:v57+s16+$0x0] =	vst.idx.msk $0xffff, v50  }
0x4a: {  	v38 =	vld [tilespmem:s24+$0x280];
	[tilespmem:v52+s16+$0x0] =	vst.idx.msk $0xffff, v41  }
0x4b: {  	v61 =	vbroadcast v61, $0x0;
	v56 =	vadd.s32 v2, v44;
	v0 =	vld [tilespmem:$0x1FE80]  }
0x4c: {  	v60 =	vld [tilespmem:s24+$0x200]  }
0x4d: {  	v39 =	vadd.f32 v39, v36;
	v43 =	vbroadcast v62, $0x0;
	v50 =	vadd.s32 v31, v61;
	v57 =	vld [tilespmem:s24+$0x300]  }
0x4e: {  	v55 =	vadd.s32 v21, v9;
	v58 =	vld [tilespmem:s24+$0x3A0];
	v37 =	vadd.f32 v37, v36  }
0x4f: {  	v62 =	vld [tilespmem:s24+$0xFFFFFC90];
	[tilespmem:v59+s16+$0x0] =	vst.idx.msk $0xffff, v39;
	v59 =	vadd.s32 v6, v43  }
0x50: {  	v52 =	vld [tilespmem:s24+$0xFFFFFD10];
	[tilespmem:v56+s16+$0x0] =	vst.idx.msk $0xffff, v37;
	v37 =	vadd.f32 v38, v36;
	v41 =	vadd.s32 v0, v54  }
0x51: {  	v63 =	vld [tilespmem:s24+$0xFFFFFD90];
	v39 =	vadd.f32 v60, v36;
	v60 =	vadd.s32 v14, v10  }
0x52: {  	v38 =	vadd.s32 v12, v51;
	v56 =	vld [tilespmem:s24+$0xFFFFFE10];
	[tilespmem:v50+s16+$0x0] =	vst.idx.msk $0xffff, v37;
	v37 =	vadd.f32 v57, v36  }
0x53: {  	[tilespmem:v55+s16+$0x0] =	vst.idx.msk $0xffff, v39;
	v55 =	vadd.s32 v22, v49;
	v39 =	vadd.f32 v58, v34  }
0x54: {  	v50 =	vadd.f32 v62, v35;
	v57 =	vadd.s32 v26, v29;
	[tilespmem:v59+s16+$0x0] =	vst.idx.msk $0xffff, v37  }
0x55: {  	v58 =	vld [tilespmem:s24+$0xFFFFFE90];
	[tilespmem:v41+s16+$0x0] =	vst.idx.msk $0xffff, v39;
	v39 =	vadd.f32 v52, v35  }
0x56: {  	v62 =	vld [tilespmem:s24+$0xFFFFFF10];
	[tilespmem:v60+s16+$0x0] =	vst.idx.msk $0xffff, v50;
	v60 =	vadd.f32 v63, v35  }
0x57: {  	v59 =	vld [tilespmem:s24+$0xFFFFFF90];
	[tilespmem:v38+s16+$0x0] =	vst.idx.msk $0xffff, v39;
	v38 =	vadd.f32 v56, v35  }
0x58: {  	v13 =	vld [tilespmem:$0x1FE90];
	[tilespmem:v55+s16+$0x0] =	vst.idx.msk $0xffff, v60  }
0x59: {  	v63 =	vld [tilespmem:s24+$0x10];
	v52 =	vadd.s32 v19, v53;
	[tilespmem:v57+s16+$0x0] =	vst.idx.msk $0xffff, v38  }
0x5a: {  	v11 =	vld [tilespmem:$0x1FE60]  }
0x5b: {  	v56 =	vld [tilespmem:s24+$0x90]  }
0x5c: {  	v62 =	vadd.f32 v62, v35;
	v41 =	vadd.s32 v30, v47;
	v37 =	vld [tilespmem:s24+$0x3B0]  }
0x5d: {  	v55 =	vadd.s32 v8, v48  }
0x5e: {  	[tilespmem:v52+s16+$0x0] =	vst.idx.msk $0xffff, v62;
	v62 =	vld [tilespmem:s24+$0x290];
	v54 =	vadd.s32 v13, v54  }
0x5f: {  	v39 =	vadd.f32 v63, v35;
	v60 =	vadd.f32 v58, v35;
	v57 =	vadd.s32 v11, v45  }
0x60: {  	v58 =	vld [tilespmem:s24+$0x110];
	v38 =	vadd.f32 v59, v35;
	v63 =	vadd.f32 v56, v35;
	v56 =	vadd.s32 v30, v61  }
0x61: {  	v50 =	vld [tilespmem:s24+$0x190];
	[tilespmem:v41+s16+$0x0] =	vst.idx.msk $0xffff, v60;
	v41 =	vadd.s32 v14, v46;
	v37 =	vadd.f32 v37, v33  }
0x62: {  	v59 =	vld [tilespmem:s24+$0x210];
	v52 =	vadd.s32 v12, v42;
	[tilespmem:v55+s16+$0x0] =	vst.idx.msk $0xffff, v38  }
0x63: {  	v60 =	vadd.s32 v22, v44;
	[tilespmem:v54+s16+$0x0] =	vst.idx.msk $0xffff, v37;
	v37 =	vadd.f32 v62, v35;
	v62 =	vld [tilespmem:s24+$0xFFFFFE20]  }
0x64: {  	v38 =	vadd.s32 v26, v9;
	v54 =	vld [tilespmem:s24+$0x310];
	[tilespmem:v57+s16+$0x0] =	vst.idx.msk $0xffff, v39  }
0x65: {  	v55 =	vld [tilespmem:s24+$0xFFFFFC10];
	v39 =	vadd.f32 v58, v35;
	[tilespmem:v56+s16+$0x0] =	vst.idx.msk $0xffff, v37;
	v56 =	vadd.s32 v24, v29  }
0x66: {  	[tilespmem:v41+s16+$0x0] =	vst.idx.msk $0xffff, v63;
	v63 =	vadd.f32 v50, v35;
	v41 =	vadd.s32 v19, v43;
	v57 =	vld [tilespmem:s24+$0xFFFFFCA0]  }
0x67: {  	v50 =	vadd.s32 v11, v25;
	v58 =	vld [tilespmem:s24+$0xFFFFFD20];
	[tilespmem:v52+s16+$0x0] =	vst.idx.msk $0xffff, v39;
	v39 =	vadd.f32 v59, v35  }
0x68: {  	[tilespmem:v60+s16+$0x0] =	vst.idx.msk $0xffff, v63;
	v52 =	vadd.s32 v4, v10;
	v40 =	vadd.f32 v62, v34  }
0x69: {  	v60 =	vadd.s32 v15, v51;
	v59 =	vld [tilespmem:s24+$0xFFFFFDA0];
	[tilespmem:v38+s16+$0x0] =	vst.idx.msk $0xffff, v39;
	v38 =	vadd.f32 v54, v35  }
0x6a: {  	v39 =	vadd.f32 v55, v35;
	v54 =	vadd.s32 v20, v49;
	v55 =	vld [tilespmem:s24+$0xFFFFFEA0];
	[tilespmem:v56+s16+$0x0] =	vst.idx.msk $0xffff, v40  }
0x6b: {  	v49 =	vadd.s32 v18, v49;
	v63 =	vadd.f32 v57, v34;
	v57 =	vld [tilespmem:s24+$0xFFFFFF20];
	[tilespmem:v41+s16+$0x0] =	vst.idx.msk $0xffff, v38  }
0x6c: {  	v58 =	vadd.f32 v58, v34;
	[tilespmem:v50+s16+$0x0] =	vst.idx.msk $0xffff, v39;
	v39 =	vadd.s32 v28, v47;
	v41 =	vld [tilespmem:s24+$0xFFFFFFA0]  }
0x6d: {  	v56 =	vadd.s32 v4, v46;
	v50 =	vadd.s32 v32, v53;
	[tilespmem:v52+s16+$0x0] =	vst.idx.msk $0xffff, v63;
	v52 =	vld [tilespmem:s24+$0x20]  }
0x6e: {  	v63 =	vadd.f32 v59, v34;
	[tilespmem:v60+s16+$0x0] =	vst.idx.msk $0xffff, v58;
	v58 =	vadd.s32 v0, v48;
	v59 =	vld [tilespmem:s24+$0xA0]  }
0x6f: {  	v46 =	vadd.s32 v5, v46;
	v47 =	vadd.s32 v27, v47;
	v60 =	vadd.f32 v55, v34;
	v55 =	vld [tilespmem:s24+$0x120]  }
0x70: {  	[tilespmem:v54+s16+$0x0] =	vst.idx.msk $0xffff, v63;
	v54 =	vadd.s32 v17, v45;
	v62 =	vadd.f32 v57, v34;
	v57 =	vld [tilespmem:s24+$0x1A0]  }
0x71: {  	v53 =	vadd.s32 v7, v53;
	[tilespmem:v39+s16+$0x0] =	vst.idx.msk $0xffff, v60;
	v63 =	vadd.f32 v41, v34;
	v39 =	vld [tilespmem:s24+$0x220]  }
0x72: {  	v48 =	vadd.s32 v13, v48;
	v41 =	vld [tilespmem:s24+$0x2A0];
	[tilespmem:v50+s16+$0x0] =	vst.idx.msk $0xffff, v62;
	v50 =	vadd.s32 v15, v42  }
0x73: {  	v60 =	vld [tilespmem:s24+$0xFFFFFC20];
	v38 =	vadd.f32 v52, v34;
	[tilespmem:v58+s16+$0x0] =	vst.idx.msk $0xffff, v63;
	v58 =	vadd.s32 v20, v44  }
0x74: {  	v40 =	vadd.f32 v59, v34;
	v52 =	vld [tilespmem:s24+$0x320];
	v59 =	vadd.s32 v24, v9;
	v63 =	vadd.s32 v5, v10  }
0x75: {  	v62 =	vld [tilespmem:s24+$0xFFFFFD30];
	[tilespmem:v54+s16+$0x0] =	vst.idx.msk $0xffff, v38;
	v38 =	vadd.f32 v55, v34;
	v54 =	vadd.s32 v28, v61  }
0x76: {  	v55 =	vld [tilespmem:s24+$0xFFFFFCB0];
	[tilespmem:v56+s16+$0x0] =	vst.idx.msk $0xffff, v40;
	v56 =	vadd.s32 v32, v43;
	v37 =	vadd.f32 v57, v34  }
0x77: {  	v40 =	vld [tilespmem:s24+$0xFFFFFDB0];
	v57 =	vadd.s32 v17, v25;
	v39 =	vadd.f32 v39, v34;
	[tilespmem:v50+s16+$0x0] =	vst.idx.msk $0xffff, v38  }
0x78: {  	s26 =	simm.s32 $0x10;
	v41 =	vadd.f32 v41, v34;
	v50 =	vadd.s32 v16, v51;
	v51 =	vld [tilespmem:s24+$0xFFFFFE30];
	[tilespmem:v58+s16+$0x0] =	vst.idx.msk $0xffff, v37  }
0x79: {  	v42 =	vadd.s32 v16, v42;
	v38 =	vmov s26;
	v52 =	vadd.f32 v52, v34;
	v37 =	vld [tilespmem:s24+$0xFFFFFEB0];
	[tilespmem:v59+s16+$0x0] =	vst.idx.msk $0xffff, v39  }
0x7a: {  	s29 =	simm.s32 $0x12;
	v0 =	vshrl.u32 v38, $0x3;
	v38 =	vadd.f32 v60, v34;
	v59 =	vadd.s32 v23, v29;
	v60 =	vld [tilespmem:s24+$0xFFFFFF30];
	[tilespmem:v54+s16+$0x0] =	vst.idx.msk $0xffff, v41  }
0x7b: {  	s28 =	simm.s32 $0x11;
	v22 =	vmov s29;
	v55 =	vadd.f32 v55, v33;
	v54 =	vadd.f32 v62, v33;
	v62 =	vld [tilespmem:s24+$0xFFFFFFB0];
	[tilespmem:v56+s16+$0x0] =	vst.idx.msk $0xffff, v52  }
0x7c: {  	s30 =	simm.s32 $0x13;
	v10 =	vmov s28;
	v61 =	vadd.s32 v27, v61;
	v40 =	vadd.f32 v40, v33;
	v56 =	vld [tilespmem:s24+$0x30];
	[tilespmem:v57+s16+$0x0] =	vst.idx.msk $0xffff, v38  }
0x7d: {  	s31 =	simm.s32 $0x14;
	s29 =	simm.s32 $0x17;
	v43 =	vadd.s32 v7, v43;
	v29 =	vmov s30;
	v39 =	vadd.s32 v3, v25;
	v57 =	vld [tilespmem:s24+$0xB0];
	[tilespmem:v63+s16+$0x0] =	vst.idx.msk $0xffff, v55  }
0x7e: {  	s26 =	simm.s32 $0x15;
	v52 =	vmov s31;
	v41 =	vmov s29;
	v63 =	vld [tilespmem:s24+$0x130];
	[tilespmem:v49+s16+$0x0] =	vst.idx.msk $0xffff, v40;
	v51 =	vadd.f32 v51, v33  }
0x7f: {  	s28 =	simm.s32 $0x16;
	v55 =	vmov s26;
	[tilespmem:v50+s16+$0x0] =	vst.idx.msk $0xffff, v54;
	v58 =	vadd.f32 v37, v33;
	v37 =	vadd.s32 v3, v45  }
0x80: {  	s30 =	simm.s32 $0x18;
	v54 =	vmov s28;
	v38 =	vadd.f32 v60, v33;
	v60 =	vld [tilespmem:s24+$0x1B0];
	v49 =	vadd.f32 v62, v33;
	[tilespmem:v59+s16+$0x0] =	vst.idx.msk $0xffff, v51  }
0x81: {  	s31 =	simm.s32 $0x19;
	v45 =	vld [tilespmem:s24+$0x330];
	v59 =	vmov s30;
	v51 =	vadd.f32 v56, v33;
	v56 =	vadd.s32 v18, v44;
	[tilespmem:v47+s16+$0x0] =	vst.idx.msk $0xffff, v58  }
0x82: {  	s26 =	simm.s32 $0x1A;
	v62 =	vld [tilespmem:s24+$0x230];
	v58 =	vmov s31;
	v47 =	vadd.f32 v57, v33;
	v57 =	vadd.s32 v23, v9;
	[tilespmem:v53+s16+$0x0] =	vst.idx.msk $0xffff, v38;
	s31 =	simm.s32 $0x1E  }
0x83: {  	s28 =	simm.s32 $0x1B;
	v44 =	vld [tilespmem:s24+$0x2B0];
	v53 =	vmov s26;
	v50 =	vadd.f32 v63, v33;
	[tilespmem:v48+s16+$0x0] =	vst.idx.msk $0xffff, v49;
	v40 =	vmov s31  }
0x84: {  	s29 =	simm.s32 $0x1C;
	v38 =	vld [tilespmem:s24+$0xFFFFFC30];
	v63 =	vmov s28;
	[tilespmem:v46+s16+$0x0] =	vst.idx.msk $0xffff, v47;
	v47 =	vshrl.u32 v59, $0x3;
	v40 =	vshrl.u32 v40, $0x3  }
0x85: {  	v25 =	vmovc v18;
	v48 =	vadd.f32 v60, v33;
	[tilespmem:v37+s16+$0x0] =	vst.idx.msk $0xffff, v51;
	v60 =	vmov s29;
	v37 =	vshll.u32 v0, v1  }
0x86: {  	s30 =	simm.s32 $0x1D;
	v18 =	vmovc v17;
	[tilespmem:v42+s16+$0x0] =	vst.idx.msk $0xffff, v50;
	v42 =	vadd.f32 v45, v33;
	v50 =	vshrl.u32 v22, $0x3;
	v45 =	vshrl.u32 v29, $0x3  }
0x87: {  	v17 =	vmovc v27;
	v27 =	vmovc v26;
	v51 =	vshrl.u32 v52, $0x3;
	v49 =	vadd.f32 v62, v33;
	v62 =	vmov s30;
	[tilespmem:v56+s16+$0x0] =	vst.idx.msk $0xffff, v48  }
0x88: {  	v26 =	vmovc v21;
	v46 =	vadd.f32 v44, v33;
	v44 =	vshrl.u32 v10, $0x3;
	v37 =	vbroadcast v37, $0x0;
	[tilespmem:v43+s16+$0x0] =	vst.idx.msk $0xffff, v42  }
0x89: {  	v21 =	vmovc v16;
	v56 =	vadd.f32 v38, v33;
	v48 =	vshrl.u32 v55, $0x3;
	v38 =	vshrl.u32 v58, $0x3;
	[tilespmem:v57+s16+$0x0] =	vst.idx.msk $0xffff, v49  }
0x8a: {  	v16 =	vmovc v4;
	v29 =	vmovc v11;
	v42 =	vshrl.u32 v53, $0x3;
	v43 =	vshrl.u32 v63, $0x3;
	v49 =	vshrl.u32 v54, $0x3;
	[tilespmem:v61+s16+$0x0] =	vst.idx.msk $0xffff, v46  }
0x8b: {  	s25 =	simm.s32 $0x20;
	s26 =	simm.s32 $0x1F;
	v22 =	vmovc v2;
	v10 =	vmovc v13;
	v46 =	vshrl.u32 v41, $0x3;
	v41 =	vshrl.u32 v60, $0x3;
	[tilespmem:v39+s16+$0x0] =	vst.idx.msk $0xffff, v56;
	v39 =	vshrl.u32 v62, $0x3  }
.LBB2_3:
0x8c: {  	v13 =	vld [tilespmem:$0x1FE70]  }
0x8d: {  	v60 =	vmov s26;
	v7 =	vld [tilespmem:$0x1FEA0]  }
0x8e: {  	v53 =	vshll.u32 v50, v1;
	v9 =	vld [tilespmem:$0x1FEB0];
	v50 =	vshrl.u32 v60, $0x3  }
0x8f: {  	v44 =	vshll.u32 v44, v1;
	s24 =	sadd.s32 $0x800, s24;
	v11 =	vld [tilespmem:$0x1FEC0];
	v61 =	vshll.u32 v50, v1  }
0x90: {  	v45 =	vshll.u32 v45, v1;
	v54 =	vshll.u32 v51, v1;
	v57 =	vld [tilespmem:s24+$0x380];
	v52 =	vbroadcast v61, $0x0  }
0x91: {  	v48 =	vshll.u32 v48, v1;
	v55 =	vshll.u32 v49, v1;
	v46 =	vshll.u32 v46, v1;
	v58 =	vld [tilespmem:s24+$0xFFFFFC00]  }
0x92: {  	v62 =	vld [tilespmem:s24+$0xFFFFFD00];
	v51 =	vbroadcast v53, $0x0;
	v50 =	vbroadcast v44, $0x0;
	v44 =	vadd.s32 v13, v52  }
0x93: {  	v56 =	vshll.u32 v47, v1;
	v2 =	vshll.u32 v40, v1;
	v60 =	vshll.u32 v43, v1;
	v43 =	vld [tilespmem:s24+$0xFFFFFC80]  }
0x94: {  	v49 =	vbroadcast v45, $0x0;
	v45 =	vld [tilespmem:s24+$0xFFFFFE00];
	v47 =	vbroadcast v54, $0x0;
	v40 =	vadd.s32 v11, v51  }
0x95: {  	v38 =	vshll.u32 v38, v1;
	v0 =	vld [tilespmem:s24+$0xFFFFFD80];
	v61 =	vadd.s32 v7, v37;
	v54 =	vadd.f32 v57, v36  }
0x96: {  	v59 =	vshll.u32 v42, v1;
	v53 =	vshll.u32 v39, v1;
	v5 =	vld [tilespmem:s24+$0xFFFFFF00];
	v4 =	vadd.s32 v26, v47  }
0x97: {  	v42 =	vbroadcast v48, $0x0;
	v63 =	vadd.s32 v9, v50;
	[tilespmem:v44+s16+$0x0] =	vst.idx.msk $0xffff, v54;
	v44 =	vadd.f32 v62, v36  }
0x98: {  	v3 =	vld [tilespmem:s24+$0xFFFFFE80];
	v48 =	vbroadcast v46, $0x0;
	v57 =	vadd.f32 v58, v36;
	v58 =	vadd.s32 v22, v49  }
0x99: {  	v46 =	vld [tilespmem:s24+$0x0];
	v43 =	vadd.f32 v43, v36;
	v62 =	vadd.f32 v45, v36;
	[tilespmem:v40+s16+$0x0] =	vst.idx.msk $0xffff, v44;
	v44 =	vbroadcast v56, $0x0  }
0x9a: {  	v39 =	vbroadcast v55, $0x0;
	v0 =	vadd.f32 v0, v36;
	[tilespmem:v61+s16+$0x0] =	vst.idx.msk $0xffff, v57;
	v54 =	vadd.s32 v31, v42;
	v55 =	vld [tilespmem:s24+$0x390]  }
0x9b: {  	[tilespmem:v4+s16+$0x0] =	vst.idx.msk $0xffff, v62;
	v4 =	vadd.f32 v5, v36;
	v62 =	vld [tilespmem:s24+$0x100];
	v5 =	vadd.s32 v7, v44  }
0x9c: {  	[tilespmem:v63+s16+$0x0] =	vst.idx.msk $0xffff, v43;
	v57 =	vadd.s32 v6, v39;
	v61 =	vld [tilespmem:s24+$0xFFFFFF80];
	v45 =	vbroadcast v38, $0x0  }
0x9d: {  	v43 =	vbroadcast v59, $0x0;
	v59 =	vld [tilespmem:s24+$0x200];
	[tilespmem:v58+s16+$0x0] =	vst.idx.msk $0xffff, v0;
	v0 =	vadd.f32 v3, v36;
	v56 =	vadd.s32 v8, v52  }
0x9e: {  	v46 =	vadd.f32 v46, v36;
	v3 =	vadd.s32 v13, v48;
	v58 =	vld [tilespmem:s24+$0x80]  }
0x9f: {  	v41 =	vshll.u32 v41, v1;
	[tilespmem:v54+s16+$0x0] =	vst.idx.msk $0xffff, v0;
	v0 =	vadd.s32 v9, v45;
	v54 =	vld [tilespmem:s24+$0x180]  }
0xa0: {  	v40 =	vbroadcast v60, $0x0;
	v55 =	vadd.f32 v55, v35;
	[tilespmem:v5+s16+$0x0] =	vst.idx.msk $0xffff, v46;
	v5 =	vadd.f32 v62, v36;
	v62 =	vld [tilespmem:$0x1FE80]  }
0xa1: {  	v41 =	vbroadcast v41, $0x0;
	[tilespmem:v57+s16+$0x0] =	vst.idx.msk $0xffff, v4;
	v4 =	vadd.f32 v61, v36;
	v57 =	vadd.s32 v11, v43;
	v61 =	vld [tilespmem:s24+$0x280]  }
0xa2: {  	v38 =	vbroadcast v53, $0x0;
	v60 =	vadd.s32 v22, v40;
	v11 =	vld [tilespmem:$0x1FFE0];
	[tilespmem:v56+s16+$0x0] =	vst.idx.msk $0xffff, v55  }
0xa3: {  	[tilespmem:v3+s16+$0x0] =	vst.idx.msk $0xffff, v4;
	v3 =	vadd.f32 v58, v36;
	v4 =	vadd.s32 v26, v41;
	v53 =	vld [tilespmem:s24+$0x3A0]  }
0xa4: {  	v55 =	vadd.s32 v31, v38;
	v56 =	vld [tilespmem:s24+$0x300];
	v46 =	vbroadcast v2, $0x0  }
0xa5: {  	v2 =	vld [tilespmem:s24+$0xFFFFFC90];
	[tilespmem:v0+s16+$0x0] =	vst.idx.msk $0xffff, v3;
	v0 =	vadd.f32 v54, v36;
	v3 =	vadd.s32 v62, v52  }
0xa6: {  	v54 =	vld [tilespmem:s24+$0xFFFFFD10];
	[tilespmem:v57+s16+$0x0] =	vst.idx.msk $0xffff, v5;
	v5 =	vadd.f32 v59, v36;
	v57 =	vadd.s32 v6, v46  }
0xa7: {  	v58 =	vadd.s32 v14, v50;
	v59 =	vld [tilespmem:s24+$0xFFFFFD90];
	[tilespmem:v60+s16+$0x0] =	vst.idx.msk $0xffff, v0;
	v0 =	vadd.f32 v61, v36  }
0xa8: {  	v60 =	vadd.s32 v12, v51;
	v61 =	vld [tilespmem:s24+$0xFFFFFE10];
	[tilespmem:v4+s16+$0x0] =	vst.idx.msk $0xffff, v5;
	v4 =	vadd.f32 v53, v34  }
0xa9: {  	v5 =	vadd.s32 v11, v49;
	v53 =	vld [tilespmem:s24+$0xFFFFFE90];
	[tilespmem:v55+s16+$0x0] =	vst.idx.msk $0xffff, v0;
	v0 =	vadd.f32 v56, v36  }
0xaa: {  	v2 =	vadd.f32 v2, v35;
	v55 =	vadd.s32 v27, v47;
	v56 =	vld [tilespmem:s24+$0xFFFFFF10];
	[tilespmem:v3+s16+$0x0] =	vst.idx.msk $0xffff, v4  }
0xab: {  	[tilespmem:v57+s16+$0x0] =	vst.idx.msk $0xffff, v0;
	v3 =	vadd.f32 v54, v35;
	v4 =	vadd.s32 v30, v42;
	v0 =	vld [tilespmem:s24+$0x3B0]  }
0xac: {  	v63 =	vld [tilespmem:s24+$0xFFFFFF90];
	[tilespmem:v58+s16+$0x0] =	vst.idx.msk $0xffff, v2;
	v2 =	vadd.f32 v59, v35;
	v54 =	vadd.s32 v19, v39  }
0xad: {  	v52 =	vadd.s32 v10, v52;
	[tilespmem:v60+s16+$0x0] =	vst.idx.msk $0xffff, v3;
	v3 =	vadd.f32 v61, v35;
	v61 =	vld [tilespmem:s24+$0x10]  }
0xae: {  	[tilespmem:v5+s16+$0x0] =	vst.idx.msk $0xffff, v2;
	v5 =	vadd.s32 v8, v48;
	v2 =	vadd.f32 v53, v35;
	v53 =	vld [tilespmem:s24+$0x90]  }
0xaf: {  	[tilespmem:v55+s16+$0x0] =	vst.idx.msk $0xffff, v3;
	v3 =	vadd.f32 v56, v35;
	v55 =	vadd.s32 v29, v44;
	v56 =	vld [tilespmem:s24+$0x110]  }
0xb0: {  	[tilespmem:v4+s16+$0x0] =	vst.idx.msk $0xffff, v2;
	v2 =	vadd.s32 v14, v45;
	v4 =	vld [tilespmem:s24+$0x190];
	v0 =	vadd.f32 v0, v33  }
0xb1: {  	v57 =	vld [tilespmem:s24+$0x210];
	[tilespmem:v54+s16+$0x0] =	vst.idx.msk $0xffff, v3;
	v3 =	vadd.f32 v63, v35;
	v54 =	vadd.s32 v12, v43  }
0xb2: {  	v59 =	vadd.s32 v11, v40;
	v60 =	vld [tilespmem:s24+$0x290];
	v58 =	vadd.f32 v61, v35;
	[tilespmem:v52+s16+$0x0] =	vst.idx.msk $0xffff, v0  }
0xb3: {  	[tilespmem:v5+s16+$0x0] =	vst.idx.msk $0xffff, v3;
	v0 =	vadd.f32 v53, v35;
	v3 =	vadd.s32 v27, v41;
	v5 =	vld [tilespmem:s24+$0x310]  }
0xb4: {  	v52 =	vld [tilespmem:s24+$0xFFFFFC10];
	[tilespmem:v55+s16+$0x0] =	vst.idx.msk $0xffff, v58;
	v63 =	vadd.f32 v56, v35  }
0xb5: {  	v55 =	vadd.s32 v30, v38;
	v56 =	vld [tilespmem:s24+$0xFFFFFCA0];
	[tilespmem:v2+s16+$0x0] =	vst.idx.msk $0xffff, v0;
	v0 =	vadd.f32 v4, v35  }
0xb6: {  	v7 =	vld [tilespmem:$0x1FF10];
	v53 =	vadd.f32 v57, v35;
	v2 =	vadd.s32 v19, v46;
	[tilespmem:v54+s16+$0x0] =	vst.idx.msk $0xffff, v63  }
0xb7: {  	v11 =	vld [tilespmem:$0x1FF30];
	v4 =	vadd.s32 v29, v37;
	v54 =	vadd.s32 v16, v50;
	[tilespmem:v59+s16+$0x0] =	vst.idx.msk $0xffff, v0  }
0xb8: {  	v58 =	vld [tilespmem:s24+$0xFFFFFD20];
	v0 =	vadd.f32 v60, v35;
	v59 =	vadd.s32 v15, v51;
	[tilespmem:v3+s16+$0x0] =	vst.idx.msk $0xffff, v53  }
0xb9: {  	v57 =	vld [tilespmem:s24+$0xFFFFFDA0];
	v3 =	vadd.f32 v5, v35;
	v5 =	vadd.f32 v52, v35;
	v52 =	vadd.s32 v20, v49  }
0xba: {  	v61 =	vld [tilespmem:s24+$0xFFFFFEA0];
	v49 =	vadd.s32 v25, v49;
	[tilespmem:v55+s16+$0x0] =	vst.idx.msk $0xffff, v0;
	v0 =	vadd.f32 v56, v34  }
0xbb: {  	v60 =	vld [tilespmem:s24+$0xFFFFFE20];
	v55 =	vadd.s32 v24, v47;
	v56 =	vadd.s32 v18, v37;
	[tilespmem:v2+s16+$0x0] =	vst.idx.msk $0xffff, v3  }
0xbc: {  	v9 =	vld [tilespmem:$0x1FFF0];
	v47 =	vadd.s32 v23, v47;
	v37 =	vadd.s32 v11, v37;
	[tilespmem:v4+s16+$0x0] =	vst.idx.msk $0xffff, v5  }
0xbd: {  	v63 =	vld [tilespmem:s24+$0xFFFFFF20];
	v2 =	vadd.f32 v58, v34;
	v3 =	vadd.s32 v28, v42;
	v5 =	vadd.s32 v32, v39  }
0xbe: {  	v4 =	vld [tilespmem:s24+$0xFFFFFFA0];
	v42 =	vadd.s32 v17, v42;
	[tilespmem:v54+s16+$0x0] =	vst.idx.msk $0xffff, v0;
	v0 =	vadd.f32 v57, v34  }
0xbf: {  	v54 =	vld [tilespmem:s24+$0x20];
	v57 =	vadd.s32 v62, v48;
	v48 =	vadd.s32 v10, v48;
	[tilespmem:v59+s16+$0x0] =	vst.idx.msk $0xffff, v2  }
0xc0: {  	v58 =	vld [tilespmem:s24+$0xA0];
	v2 =	vadd.f32 v60, v34;
	[tilespmem:v52+s16+$0x0] =	vst.idx.msk $0xffff, v0;
	v0 =	vadd.f32 v61, v34  }
0xc1: {  	v62 =	vld [tilespmem:s24+$0x120];
	v61 =	vadd.s32 v18, v44;
	v52 =	vadd.s32 v28, v38;
	v44 =	vadd.s32 v11, v44  }
0xc2: {  	v59 =	vld [tilespmem:s24+$0xFFFFFC20];
	[tilespmem:v55+s16+$0x0] =	vst.idx.msk $0xffff, v2;
	v2 =	vadd.f32 v63, v34;
	v63 =	vadd.s32 v16, v45  }
0xc3: {  	v60 =	vld [tilespmem:s24+$0x1A0];
	[tilespmem:v3+s16+$0x0] =	vst.idx.msk $0xffff, v0;
	v0 =	vadd.f32 v4, v34;
	v3 =	vadd.s32 v15, v43  }
0xc4: {  	v38 =	vadd.s32 v17, v38;
	v4 =	vld [tilespmem:s24+$0x220];
	[tilespmem:v5+s16+$0x0] =	vst.idx.msk $0xffff, v2;
	v2 =	vadd.f32 v54, v34  }
0xc5: {  	v5 =	vadd.s32 v20, v40;
	v54 =	vld [tilespmem:s24+$0x2A0];
	[tilespmem:v57+s16+$0x0] =	vst.idx.msk $0xffff, v0;
	v0 =	vadd.f32 v58, v34  }
0xc6: {  	v57 =	vadd.s32 v24, v41;
	v58 =	vld [tilespmem:s24+$0x320];
	[tilespmem:v61+s16+$0x0] =	vst.idx.msk $0xffff, v2;
	v2 =	vadd.f32 v62, v34  }
0xc7: {  	v53 =	vld [tilespmem:s24+$0xFFFFFCB0];
	v55 =	vadd.s32 v32, v46;
	v61 =	vadd.f32 v59, v34;
	[tilespmem:v63+s16+$0x0] =	vst.idx.msk $0xffff, v0  }
0xc8: {  	v45 =	vadd.s32 v9, v45;
	v0 =	vadd.f32 v60, v34;
	v60 =	vld [tilespmem:s24+$0xFFFFFD30];
	[tilespmem:v3+s16+$0x0] =	vst.idx.msk $0xffff, v2  }
0xc9: {  	v2 =	vadd.f32 v4, v34;
	v3 =	vadd.s32 v9, v50;
	v4 =	vld [tilespmem:s24+$0xFFFFFDB0];
	[tilespmem:v56+s16+$0x0] =	vst.idx.msk $0xffff, v61  }
0xca: {  	v50 =	vadd.s32 v21, v51;
	v51 =	vld [tilespmem:s24+$0xFFFFFE30];
	[tilespmem:v5+s16+$0x0] =	vst.idx.msk $0xffff, v0;
	v0 =	vadd.f32 v54, v34  }
0xcb: {  	v46 =	vadd.s32 v7, v46;
	[tilespmem:v57+s16+$0x0] =	vst.idx.msk $0xffff, v2;
	v2 =	vadd.f32 v58, v34;
	v57 =	vld [tilespmem:s24+$0xFFFFFEB0]  }
0xcc: {  	s29 =	sadd.s32 $0x3, s25;
	v41 =	vadd.s32 v23, v41;
	v62 =	vadd.f32 v53, v33;
	v53 =	vld [tilespmem:s24+$0xFFFFFF30];
	v5 =	vmov s25;
	[tilespmem:v52+s16+$0x0] =	vst.idx.msk $0xffff, v0  }
0xcd: {  	s31 =	sadd.s32 $0x1, s25;
	v56 =	vmov s29;
	v5 =	vshrl.u32 v5, $0x3;
	[tilespmem:v55+s16+$0x0] =	vst.idx.msk $0xffff, v2;
	v63 =	vadd.f32 v60, v33;
	v55 =	vld [tilespmem:s24+$0xFFFFFFB0]  }
0xce: {  	s30 =	sadd.s32 $0x4, s25;
	v0 =	vmov s31;
	[tilespmem:v3+s16+$0x0] =	vst.idx.msk $0xffff, v62;
	v3 =	vadd.f32 v4, v33;
	v4 =	vadd.s32 v7, v39;
	v39 =	vld [tilespmem:s24+$0x30]  }
0xcf: {  	s28 =	sadd.s32 $0x2, s25;
	v61 =	vld [tilespmem:s24+$0xB0];
	v52 =	vmov s30;
	s31 =	sadd.s32 $0x5, s25;
	v5 =	vshll.u32 v5, v1;
	v60 =	vadd.f32 v51, v33;
	[tilespmem:v50+s16+$0x0] =	vst.idx.msk $0xffff, v63  }
0xd0: {  	v2 =	vmov s28;
	v54 =	vmov s31;
	s31 =	sadd.s32 $0x9, s25;
	v62 =	vld [tilespmem:s24+$0x130];
	[tilespmem:v49+s16+$0x0] =	vst.idx.msk $0xffff, v3;
	v3 =	vadd.f32 v57, v33  }
0xd1: {  	s29 =	sadd.s32 $0x7, s25;
	v58 =	vmov s31;
	v51 =	vshrl.u32 v52, $0x3;
	v63 =	vadd.f32 v53, v33;
	[tilespmem:v47+s16+$0x0] =	vst.idx.msk $0xffff, v60;
	v47 =	vld [tilespmem:s24+$0x330]  }
0xd2: {  	s28 =	sadd.s32 $0x6, s25;
	v50 =	vld [tilespmem:s24+$0x1B0];
	v53 =	vmov s29;
	s29 =	sadd.s32 $0xB, s25;
	[tilespmem:v42+s16+$0x0] =	vst.idx.msk $0xffff, v3;
	v3 =	vadd.f32 v55, v33;
	v42 =	vadd.s32 v21, v43  }
0xd3: {  	v57 =	vmov s28;
	s28 =	sadd.s32 $0xA, s25;
	v60 =	vmov s29;
	v43 =	vld [tilespmem:s24+$0x230];
	[tilespmem:v4+s16+$0x0] =	vst.idx.msk $0xffff, v63;
	v4 =	vadd.f32 v39, v33  }
0xd4: {  	s30 =	sadd.s32 $0x8, s25;
	v59 =	vmov s28;
	v39 =	vadd.s32 v25, v40;
	v40 =	vld [tilespmem:s24+$0x2B0];
	[tilespmem:v48+s16+$0x0] =	vst.idx.msk $0xffff, v3;
	v3 =	vadd.f32 v61, v33  }
0xd5: {  	s28 =	sadd.s32 $0xE, s25;
	v49 =	vshrl.u32 v57, $0x3;
	v55 =	vmov s30;
	v48 =	vld [tilespmem:s24+$0xFFFFFC30];
	[tilespmem:v44+s16+$0x0] =	vst.idx.msk $0xffff, v4;
	v4 =	vadd.f32 v62, v33  }
0xd6: {  	s31 =	sadd.s32 $0xD, s25;
	s30 =	sadd.s32 $0xC, s25;
	v63 =	vmov s28;
	v44 =	vshrl.u32 v0, $0x3;
	v0 =	vadd.f32 v47, v33;
	[tilespmem:v45+s16+$0x0] =	vst.idx.msk $0xffff, v3  }
0xd7: {  	p1 =	slt.u32 s25, $0x70;
	v61 =	vmov s30;
	v62 =	vmov s31;
	v3 =	vadd.f32 v50, v33;
	[tilespmem:v42+s16+$0x0] =	vst.idx.msk $0xffff, v4  }
.Ltmp0:
0xd8: {  	v47 =	vshrl.u32 v55, $0x3;
	v50 =	vshrl.u32 v2, $0x3;
	v4 =	vadd.f32 v43, v33;
	[tilespmem:v46+s16+$0x0] =	vst.idx.msk $0xffff, v0;
	(pc) =	sbr.rel @p1 .LBB2_3-.Ltmp0, $4  }
0xd9: {  	v45 =	vshrl.u32 v56, $0x3;
	v46 =	vshrl.u32 v53, $0x3;
	[tilespmem:v39+s16+$0x0] =	vst.idx.msk $0xffff, v3;
	v3 =	vadd.f32 v40, v33  }
0xda: {  	v42 =	vshrl.u32 v59, $0x3;
	v43 =	vshrl.u32 v60, $0x3;
	[tilespmem:v41+s16+$0x0] =	vst.idx.msk $0xffff, v4;
	v2 =	vadd.f32 v48, v33  }
0xdb: {  	v39 =	vshrl.u32 v62, $0x3;
	v40 =	vshrl.u32 v63, $0x3;
	v48 =	vshrl.u32 v54, $0x3;
	[tilespmem:v38+s16+$0x0] =	vst.idx.msk $0xffff, v3  }
0xdc: {  	s26 =	sadd.s32 $0xF, s25;
	s25 =	sadd.s32 $0x10, s25;
	v41 =	vshrl.u32 v61, $0x3;
	v38 =	vshrl.u32 v58, $0x3;
	[tilespmem:v37+s16+$0x0] =	vst.idx.msk $0xffff, v2;
	v37 =	vbroadcast v5, $0x0  }
0xdd: {  	v11 =	vld [tilespmem:$0x1FE70]  }
0xde: {  	v0 =	vshll.u32 v44, v1;
	v2 =	vshll.u32 v50, v1;
	v3 =	vmov s26;
	v7 =	vld [tilespmem:$0x1FEA0]  }
0xdf: {  	v4 =	vshll.u32 v45, v1;
	v5 =	vshll.u32 v51, v1;
	v9 =	vld [tilespmem:$0x1FEB0];
	v3 =	vshrl.u32 v3, $0x3  }
0xe0: {  	v44 =	vshll.u32 v48, v1;
	v45 =	vshll.u32 v49, v1;
	s24 =	sadd.s32 $0x800, s24;
	v13 =	vld [tilespmem:$0x1FEC0];
	v3 =	vshll.u32 v3, v1  }
0xe1: {  	v46 =	vshll.u32 v46, v1;
	v47 =	vshll.u32 v47, v1;
	v61 =	vld [tilespmem:s24+$0x380];
	v3 =	vbroadcast v3, $0x0  }
0xe2: {  	v50 =	vshll.u32 v38, v1;
	v51 =	vshll.u32 v42, v1;
	v52 =	vshll.u32 v43, v1;
	v62 =	vld [tilespmem:s24+$0xFFFFFC00]  }
0xe3: {  	v43 =	vld [tilespmem:s24+$0xFFFFFC80];
	v38 =	vbroadcast v0, $0x0;
	v0 =	vshll.u32 v41, v1;
	v53 =	vadd.s32 v11, v3  }
0xe4: {  	v55 =	vld [tilespmem:s24+$0xFFFFFD00];
	v41 =	vbroadcast v2, $0x0;
	v2 =	vshll.u32 v39, v1;
	v54 =	vadd.s32 v7, v37  }
0xe5: {  	v57 =	vld [tilespmem:s24+$0xFFFFFD80];
	v39 =	vbroadcast v4, $0x0;
	v4 =	vshll.u32 v40, v1;
	v56 =	vadd.s32 v9, v38  }
0xe6: {  	v59 =	vld [tilespmem:s24+$0xFFFFFE00];
	v40 =	vbroadcast v5, $0x0;
	v58 =	vadd.s32 v13, v41;
	v5 =	vadd.f32 v61, v36  }
0xe7: {  	v60 =	vld [tilespmem:s24+$0xFFFFFE80];
	v42 =	vbroadcast v44, $0x0;
	v49 =	vadd.s32 v22, v39;
	v48 =	vadd.f32 v62, v36  }
0xe8: {  	v63 =	vadd.f32 v43, v36;
	v43 =	vbroadcast v45, $0x0;
	[tilespmem:v53+s16+$0x0] =	vst.idx.msk $0xffff, v5;
	v5 =	vadd.s32 v26, v40;
	v53 =	vld [tilespmem:s24+$0xFFFFFF00]  }
0xe9: {  	v61 =	vadd.f32 v55, v36;
	[tilespmem:v54+s16+$0x0] =	vst.idx.msk $0xffff, v48;
	v48 =	vadd.s32 v31, v42;
	v54 =	vld [tilespmem:s24+$0x390]  }
0xea: {  	v44 =	vbroadcast v46, $0x0;
	v55 =	vadd.f32 v57, v36;
	v57 =	vld [tilespmem:s24+$0xFFFFFF80];
	[tilespmem:v56+s16+$0x0] =	vst.idx.msk $0xffff, v63;
	v56 =	vadd.s32 v6, v43  }
0xeb: {  	v45 =	vbroadcast v47, $0x0;
	[tilespmem:v58+s16+$0x0] =	vst.idx.msk $0xffff, v61;
	v58 =	vadd.f32 v59, v36;
	v59 =	vld [tilespmem:s24+$0x0];
	v61 =	vadd.s32 v8, v3  }
0xec: {  	v46 =	vbroadcast v50, $0x0;
	[tilespmem:v49+s16+$0x0] =	vst.idx.msk $0xffff, v55;
	v49 =	vadd.f32 v60, v36;
	v55 =	vadd.s32 v11, v44;
	v60 =	vld [tilespmem:s24+$0x80]  }
0xed: {  	v47 =	vbroadcast v51, $0x0;
	[tilespmem:v5+s16+$0x0] =	vst.idx.msk $0xffff, v58;
	v5 =	vadd.f32 v53, v36;
	v53 =	vadd.s32 v7, v45;
	v58 =	vld [tilespmem:s24+$0x100]  }
0xee: {  	v62 =	vadd.s32 v9, v46;
	v63 =	vld [tilespmem:s24+$0x180];
	[tilespmem:v48+s16+$0x0] =	vst.idx.msk $0xffff, v49;
	v48 =	vbroadcast v52, $0x0;
	v50 =	vadd.f32 v54, v35  }
0xef: {  	v52 =	vadd.s32 v13, v47;
	v49 =	vbroadcast v0, $0x0;
	v54 =	vld [tilespmem:s24+$0x200];
	[tilespmem:v56+s16+$0x0] =	vst.idx.msk $0xffff, v5;
	v5 =	vadd.f32 v57, v36  }
0xf0: {  	v0 =	vadd.f32 v59, v36;
	v56 =	vadd.s32 v22, v48;
	v57 =	vld [tilespmem:s24+$0x280];
	[tilespmem:v61+s16+$0x0] =	vst.idx.msk $0xffff, v50;
	v50 =	vbroadcast v2, $0x0  }
0xf1: {  	v2 =	vadd.f32 v60, v36;
	[tilespmem:v55+s16+$0x0] =	vst.idx.msk $0xffff, v5;
	v5 =	vadd.s32 v26, v49  }
0xf2: {  	[tilespmem:v53+s16+$0x0] =	vst.idx.msk $0xffff, v0;
	v0 =	vadd.f32 v58, v36;
	v53 =	vadd.s32 v31, v50  }
0xf3: {  	v51 =	vbroadcast v4, $0x0;
	v4 =	vadd.f32 v63, v36;
	[tilespmem:v62+s16+$0x0] =	vst.idx.msk $0xffff, v2  }
0xf4: {  	v60 =	vld [tilespmem:$0x1FE80];
	[tilespmem:v52+s16+$0x0] =	vst.idx.msk $0xffff, v0;
	v52 =	vadd.f32 v54, v36  }
0xf5: {  	[tilespmem:v56+s16+$0x0] =	vst.idx.msk $0xffff, v4;
	v57 =	vadd.f32 v57, v36  }
0xf6: {  	v55 =	vld [tilespmem:s24+$0x3A0];
	[tilespmem:v5+s16+$0x0] =	vst.idx.msk $0xffff, v52  }
0xf7: {  	v58 =	vld [tilespmem:s24+$0x300];
	[tilespmem:v53+s16+$0x0] =	vst.idx.msk $0xffff, v57  }
0xf8: {  	v63 =	vmov v6;
	v54 =	vadd.s32 v6, v51;
	v6 =	vld [tilespmem:$0x1FFE0]  }
0xf9: {  	v2 =	vld [tilespmem:s24+$0xFFFFFC90];
	v59 =	vadd.s32 v60, v3  }
0xfa: {  	v0 =	vld [tilespmem:s24+$0xFFFFFD10]  }
0xfb: {  	v4 =	vadd.s32 v14, v38;
	v56 =	vld [tilespmem:s24+$0xFFFFFD90]  }
0xfc: {  	v5 =	vadd.s32 v12, v41;
	v52 =	vld [tilespmem:s24+$0xFFFFFE10];
	v55 =	vadd.f32 v55, v34  }
0xfd: {  	v36 =	vadd.f32 v58, v36;
	v57 =	vld [tilespmem:s24+$0xFFFFFE90];
	v53 =	vadd.s32 v6, v39  }
0xfe: {  	v62 =	vld [tilespmem:s24+$0xFFFFFF10];
	v2 =	vadd.f32 v2, v35;
	[tilespmem:v59+s16+$0x0] =	vst.idx.msk $0xffff, v55;
	v55 =	vadd.s32 v27, v40  }
0xff: {  	v0 =	vadd.f32 v0, v35;
	[tilespmem:v54+s16+$0x0] =	vst.idx.msk $0xffff, v36;
	v36 =	vadd.s32 v30, v42;
	v54 =	vld [tilespmem:s24+$0x3B0]  }
0x100: {  	[tilespmem:v4+s16+$0x0] =	vst.idx.msk $0xffff, v2;
	v2 =	vadd.f32 v56, v35;
	v4 =	vadd.s32 v19, v43;
	v56 =	vld [tilespmem:s24+$0xFFFFFF90]  }
0x101: {  	v3 =	vadd.s32 v10, v3;
	[tilespmem:v5+s16+$0x0] =	vst.idx.msk $0xffff, v0;
	v0 =	vadd.f32 v52, v35;
	v5 =	vld [tilespmem:s24+$0x10]  }
0x102: {  	v52 =	vadd.s32 v8, v44;
	[tilespmem:v53+s16+$0x0] =	vst.idx.msk $0xffff, v2;
	v2 =	vadd.f32 v57, v35;
	v53 =	vld [tilespmem:s24+$0x90]  }
0x103: {  	[tilespmem:v55+s16+$0x0] =	vst.idx.msk $0xffff, v0;
	v0 =	vadd.f32 v62, v35;
	v55 =	vadd.s32 v29, v45;
	v62 =	vld [tilespmem:s24+$0x110]  }
0x104: {  	v54 =	vadd.f32 v54, v33;
	[tilespmem:v36+s16+$0x0] =	vst.idx.msk $0xffff, v2;
	v2 =	vadd.s32 v14, v46;
	v36 =	vld [tilespmem:s24+$0x190]  }
0x105: {  	[tilespmem:v4+s16+$0x0] =	vst.idx.msk $0xffff, v0;
	v0 =	vadd.f32 v56, v35;
	v4 =	vadd.s32 v12, v47;
	v56 =	vld [tilespmem:s24+$0x210]  }
0x106: {  	v5 =	vadd.f32 v5, v35;
	[tilespmem:v3+s16+$0x0] =	vst.idx.msk $0xffff, v54;
	v3 =	vadd.s32 v6, v48;
	v54 =	vld [tilespmem:s24+$0x290]  }
0x107: {  	[tilespmem:v52+s16+$0x0] =	vst.idx.msk $0xffff, v0;
	v52 =	vadd.s32 v27, v49;
	v0 =	vadd.f32 v53, v35;
	v53 =	vld [tilespmem:s24+$0x310]  }
0x108: {  	v57 =	vadd.s32 v30, v50;
	[tilespmem:v55+s16+$0x0] =	vst.idx.msk $0xffff, v5;
	v5 =	vld [tilespmem:s24+$0xFFFFFC10];
	v62 =	vadd.f32 v62, v35  }
0x109: {  	[tilespmem:v2+s16+$0x0] =	vst.idx.msk $0xffff, v0;
	v0 =	vld [tilespmem:s24+$0xFFFFFCA0];
	v2 =	vadd.f32 v36, v35;
	v36 =	vadd.s32 v19, v51  }
0x10a: {  	v55 =	vld [tilespmem:s24+$0xFFFFFD20];
	[tilespmem:v4+s16+$0x0] =	vst.idx.msk $0xffff, v62;
	v4 =	vadd.s32 v29, v37;
	v56 =	vadd.f32 v56, v35  }
0x10b: {  	v54 =	vadd.f32 v54, v35;
	[tilespmem:v3+s16+$0x0] =	vst.idx.msk $0xffff, v2;
	v2 =	vadd.s32 v16, v38;
	v3 =	vld [tilespmem:s24+$0xFFFFFDA0]  }
0x10c: {  	v62 =	vld [tilespmem:s24+$0xFFFFFE20];
	[tilespmem:v52+s16+$0x0] =	vst.idx.msk $0xffff, v56;
	v52 =	vadd.s32 v15, v41;
	v53 =	vadd.f32 v53, v35  }
0x10d: {  	v5 =	vadd.f32 v5, v35;
	[tilespmem:v57+s16+$0x0] =	vst.idx.msk $0xffff, v54;
	v35 =	vadd.s32 v20, v39;
	v54 =	vld [tilespmem:s24+$0xFFFFFEA0]  }
0x10e: {  	v0 =	vadd.f32 v0, v34;
	[tilespmem:v36+s16+$0x0] =	vst.idx.msk $0xffff, v53;
	v36 =	vadd.s32 v24, v40;
	v53 =	vld [tilespmem:s24+$0xFFFFFF20]  }
0x10f: {  	v59 =	vadd.f32 v55, v34;
	v55 =	vld [tilespmem:s24+$0xFFFFFFA0];
	[tilespmem:v4+s16+$0x0] =	vst.idx.msk $0xffff, v5;
	v5 =	vadd.s32 v28, v42  }
0x110: {  	[tilespmem:v2+s16+$0x0] =	vst.idx.msk $0xffff, v0;
	v0 =	vadd.f32 v3, v34;
	v2 =	vadd.s32 v32, v43;
	v3 =	vld [tilespmem:s24+$0x20]  }
0x111: {  	v56 =	vld [tilespmem:s24+$0xA0];
	v62 =	vadd.f32 v62, v34;
	[tilespmem:v52+s16+$0x0] =	vst.idx.msk $0xffff, v59;
	v52 =	vadd.s32 v60, v44  }
0x112: {  	[tilespmem:v35+s16+$0x0] =	vst.idx.msk $0xffff, v0;
	v0 =	vadd.f32 v54, v34;
	v35 =	vadd.s32 v18, v45;
	v54 =	vld [tilespmem:s24+$0x120]  }
0x113: {  	[tilespmem:v36+s16+$0x0] =	vst.idx.msk $0xffff, v62;
	v59 =	vadd.f32 v53, v34;
	v36 =	vadd.s32 v16, v46;
	v62 =	vld [tilespmem:s24+$0x1A0]  }
0x114: {  	[tilespmem:v5+s16+$0x0] =	vst.idx.msk $0xffff, v0;
	v0 =	vadd.f32 v55, v34;
	v5 =	vadd.s32 v15, v47  }
0x115: {  	[tilespmem:v2+s16+$0x0] =	vst.idx.msk $0xffff, v59;
	v2 =	vadd.f32 v3, v34;
	v3 =	vadd.s32 v20, v48  }
0x116: {  	[tilespmem:v52+s16+$0x0] =	vst.idx.msk $0xffff, v0;
	v0 =	vadd.f32 v56, v34  }
0x117: {  	[tilespmem:v35+s16+$0x0] =	vst.idx.msk $0xffff, v2;
	v57 =	vadd.f32 v54, v34  }
0x118: {  	[tilespmem:v36+s16+$0x0] =	vst.idx.msk $0xffff, v0;
	v62 =	vadd.f32 v62, v34  }
0x119: {  	v4 =	vld [tilespmem:s24+$0x2A0];
	[tilespmem:v5+s16+$0x0] =	vst.idx.msk $0xffff, v57  }
0x11a: {  	v55 =	vld [tilespmem:s24+$0x220];
	[tilespmem:v3+s16+$0x0] =	vst.idx.msk $0xffff, v62  }
0x11b: {  	v16 =	vld [tilespmem:$0x1FFF0]  }
0x11c: {  	v52 =	vadd.s32 v24, v49;
	v56 =	vld [tilespmem:s24+$0x320]  }
0x11d: {  	v59 =	vadd.s32 v28, v50;
	v2 =	vld [tilespmem:s24+$0xFFFFFC20]  }
0x11e: {  	v53 =	vadd.s32 v32, v51;
	v0 =	vld [tilespmem:s24+$0xFFFFFCB0]  }
0x11f: {  	v35 =	vld [tilespmem:s24+$0xFFFFFD30];
	v5 =	vadd.s32 v18, v37;
	v55 =	vadd.f32 v55, v34  }
0x120: {  	v4 =	vadd.f32 v4, v34;
	v36 =	vld [tilespmem:s24+$0xFFFFFDB0];
	v3 =	vadd.s32 v16, v38  }
0x121: {  	[tilespmem:v52+s16+$0x0] =	vst.idx.msk $0xffff, v55;
	v57 =	vadd.f32 v56, v34;
	v38 =	vadd.s32 v21, v41  }
0x122: {  	[tilespmem:v59+s16+$0x0] =	vst.idx.msk $0xffff, v4;
	v59 =	vadd.s32 v25, v39;
	v2 =	vadd.f32 v2, v34  }
0x123: {  	[tilespmem:v53+s16+$0x0] =	vst.idx.msk $0xffff, v57;
	v0 =	vadd.f32 v0, v33  }
0x124: {  	[tilespmem:v5+s16+$0x0] =	vst.idx.msk $0xffff, v2;
	v2 =	vadd.f32 v35, v33  }
0x125: {  	v62 =	vld [tilespmem:s24+$0xFFFFFEB0];
	[tilespmem:v3+s16+$0x0] =	vst.idx.msk $0xffff, v0;
	v0 =	vadd.f32 v36, v33  }
0x126: {  	v7 =	vld [tilespmem:$0x1FF10];
	[tilespmem:v38+s16+$0x0] =	vst.idx.msk $0xffff, v2  }
0x127: {  	v41 =	vld [tilespmem:s24+$0xFFFFFE30];
	[tilespmem:v59+s16+$0x0] =	vst.idx.msk $0xffff, v0  }
0x128: {  	v9 =	vld [tilespmem:$0x1FF30]  }
0x129: {  	v39 =	vadd.s32 v23, v40;
	v52 =	vld [tilespmem:s24+$0xFFFFFF30]  }
0x12a: {  	v54 =	vld [tilespmem:s24+$0xFFFFFFB0];
	v53 =	vadd.s32 v17, v42  }
0x12b: {  	v55 =	vld [tilespmem:s24+$0x30];
	v3 =	vadd.s32 v7, v43  }
0x12c: {  	v56 =	vadd.s32 v10, v44;
	v57 =	vld [tilespmem:s24+$0xB0];
	v2 =	vadd.f32 v41, v33  }
0x12d: {  	v0 =	vadd.f32 v62, v33;
	v62 =	vld [tilespmem:s24+$0x130];
	v59 =	vadd.s32 v9, v45  }
0x12e: {  	v44 =	vadd.s32 v16, v46;
	[tilespmem:v39+s16+$0x0] =	vst.idx.msk $0xffff, v2;
	v2 =	vadd.f32 v52, v33;
	v45 =	vld [tilespmem:s24+$0x1B0]  }
0x12f: {  	v46 =	vadd.s32 v21, v47;
	v47 =	vld [tilespmem:s24+$0x230];
	[tilespmem:v53+s16+$0x0] =	vst.idx.msk $0xffff, v0;
	v0 =	vadd.f32 v54, v33  }
0x130: {  	v52 =	vld [tilespmem:s24+$0x2B0];
	[tilespmem:v3+s16+$0x0] =	vst.idx.msk $0xffff, v2;
	v2 =	vadd.f32 v55, v33;
	v3 =	vadd.s32 v25, v48  }
0x131: {  	v53 =	vadd.s32 v23, v49;
	v54 =	vld [tilespmem:s24+$0x330];
	[tilespmem:v56+s16+$0x0] =	vst.idx.msk $0xffff, v0;
	v0 =	vadd.f32 v57, v33  }
0x132: {  	v56 =	vadd.s32 v17, v50;
	v55 =	vadd.f32 v62, v33;
	[tilespmem:v59+s16+$0x0] =	vst.idx.msk $0xffff, v2;
	v2 =	vld [tilespmem:s24+$0xFFFFFC30]  }
0x133: {  	v57 =	vadd.s32 v7, v51;
	[tilespmem:v44+s16+$0x0] =	vst.idx.msk $0xffff, v0;
	v0 =	vadd.f32 v45, v33  }
0x134: {  	v62 =	vadd.f32 v47, v33;
	[tilespmem:v46+s16+$0x0] =	vst.idx.msk $0xffff, v55;
	v59 =	vadd.s32 v9, v37  }
0x135: {  	[tilespmem:v3+s16+$0x0] =	vst.idx.msk $0xffff, v0;
	v0 =	vadd.f32 v52, v33  }
0x136: {  	s25 =	sshll.u32 s22, $0x13;
	[tilespmem:v53+s16+$0x0] =	vst.idx.msk $0xffff, v62;
	v3 =	vadd.f32 v54, v33  }
0x137: {  	s24 =	sor.u32 s7, s25;
	[tilespmem:v56+s16+$0x0] =	vst.idx.msk $0xffff, v0;
	v0 =	vadd.f32 v2, v33  }
0x138: {  	s24 =	sshrl.u32 s24, $0x3;
	[tilespmem:v57+s16+$0x0] =	vst.idx.msk $0xffff, v3  }
0x139: {  	s26 =	simm.s32 $0xE400;
	s25 =	sadd.s32 s1, s24;
	[tilespmem:v59+s16+$0x0] =	vst.idx.msk $0xffff, v0  }
0x13a: {  	[hbm4b:s25+s3] =	stream.linear.scatter [tilespmem:s26], [sflag:$0x3], $0x80, $0x38;
	[tilespmem:$0x15A00] =	vst v63  }
0x13b: {  	s30 =	simm.s32 $0xE488;
	s31 =	sadd.s32 $0x10, s25  }
0x13c: {  	[hbm4b:s31+s3] =	stream.linear.scatter [tilespmem:s30], [sflag:$0x3], $0x80, $0x38;
	[tilespmem:$0x15A00] =	vst v63  }
0x13d: {  	s28 =	simm.s32 $0xE7B8;
	s30 =	simm.s32 $0xE510;
	s31 =	sadd.s32 $0x20, s25  }
0x13e: {  	[hbm4b:s31+s3] =	stream.linear.scatter [tilespmem:s30], [sflag:$0x3], $0x80, $0x38;
	[tilespmem:$0x15A00] =	vst v63  }
0x13f: {  	s24 =	simm.s32 $0x440;
	s30 =	simm.s32 $0xE598;
	s31 =	sadd.s32 $0x30, s25  }
0x140: {  	[hbm4b:s31+s3] =	stream.linear.scatter [tilespmem:s30], [sflag:$0x3], $0x80, $0x38;
	[tilespmem:$0x15A00] =	vst v63  }
0x141: {  	s29 =	sadd.s32 $0x70, s25;
	s30 =	simm.s32 $0xE620;
	s31 =	sadd.s32 $0x40, s25  }
0x142: {  	[hbm4b:s31+s3] =	stream.linear.scatter [tilespmem:s30], [sflag:$0x3], $0x80, $0x38;
	[tilespmem:$0x15A00] =	vst v63  }
0x143: {  	s26 =	simm.s32 $0x2200;
	s30 =	simm.s32 $0xE6A8;
	s31 =	sadd.s32 $0x50, s25  }
0x144: {  	v11 =	vmov v13;
	v61 =	vmov v22;
	v22 =	vmov v26;
	[hbm4b:s31+s3] =	stream.linear.scatter [tilespmem:s30], [sflag:$0x3], $0x80, $0x38;
	[tilespmem:$0x15A00] =	vst v63  }
0x145: {  	v26 =	vmovc v31;
	v31 =	vmovc v27;
	v58 =	vmov v14;
	v8 =	vmov v12;
	v12 =	vmov v30;
	s30 =	simm.s32 $0xE730;
	s31 =	sadd.s32 $0x60, s25;
	s25 =	sadd.s32 $0x1000, s25  }
0x146: {  	v27 =	vmovc v19;
	v19 =	vmovc v20;
	v29 =	vmov v10;
	v10 =	vmov v60;
	v21 =	vmov v6;
	[hbm4b:s31+s3] =	stream.linear.scatter [tilespmem:s30], [sflag:$0x3], $0x80, $0x38;
	[tilespmem:$0x15A00] =	vst v63  }
.LBB2_5:
0x147: {  	[hbm4b:s29+s3] =	stream.linear.scatter [tilespmem:s28], [sflag:$0x3], $0x80, $0x38;
	[tilespmem:$0x15A00] =	vst v63  }
0x148: {  	s28 =	smov.u32 s24;
	s24 =	smov.u32 s26  }
0x149: {  	s30 =	sadd.s32 $0x1100, s26;
	s24 =	sshra.s32 s24, $0x2;
	s29 =	sadd.s32 $0xE400, s28  }
0x14a: {  	[hbm4b:s25+s3] =	stream.linear.scatter [tilespmem:s29], [sflag:$0x3], $0x80, $0x38;
	[tilespmem:$0x15A00] =	vst v63  }
0x14b: {  	p1 =	sne.s32 s26, $0x7700;
	s26 =	sadd.s32 $0xE488, s28;
	s29 =	sadd.s32 $0x10, s25  }
0x14c: {  	[hbm4b:s29+s3] =	stream.linear.scatter [tilespmem:s26], [sflag:$0x3], $0x80, $0x38;
	[tilespmem:$0x15A00] =	vst v63  }
0x14d: {  	s26 =	sadd.s32 $0xE510, s28;
	s29 =	sadd.s32 $0x20, s25  }
0x14e: {  	[hbm4b:s29+s3] =	stream.linear.scatter [tilespmem:s26], [sflag:$0x3], $0x80, $0x38;
	[tilespmem:$0x15A00] =	vst v63  }
0x14f: {  	s26 =	sadd.s32 $0xE598, s28;
	s29 =	sadd.s32 $0x30, s25  }
0x150: {  	[hbm4b:s29+s3] =	stream.linear.scatter [tilespmem:s26], [sflag:$0x3], $0x80, $0x38;
	[tilespmem:$0x15A00] =	vst v63  }
0x151: {  	s26 =	sadd.s32 $0xE620, s28;
	s29 =	sadd.s32 $0x40, s25  }
0x152: {  	[hbm4b:s29+s3] =	stream.linear.scatter [tilespmem:s26], [sflag:$0x3], $0x80, $0x38;
	[tilespmem:$0x15A00] =	vst v63  }
.Ltmp1:
0x153: {  	s26 =	sadd.s32 $0xE6A8, s28;
	s29 =	sadd.s32 $0x50, s25;
	(pc) =	sbr.rel @p1 .LBB2_5-.Ltmp1, $4  }
0x154: {  	[hbm4b:s29+s3] =	stream.linear.scatter [tilespmem:s26], [sflag:$0x3], $0x80, $0x38;
	[tilespmem:$0x15A00] =	vst v63  }
0x155: {  	s26 =	sadd.s32 $0xE730, s28;
	s29 =	sadd.s32 $0x60, s25;
	s28 =	sadd.s32 $0xE7B8, s28  }
0x156: {  	[hbm4b:s29+s3] =	stream.linear.scatter [tilespmem:s26], [sflag:$0x3], $0x80, $0x38;
	[tilespmem:$0x15A00] =	vst v63  }
0x157: {  	s29 =	sadd.s32 $0x70, s25;
	s25 =	sadd.s32 $0x1000, s25;
	s26 =	smov.u32 s30  }
0x158: {  	[hbm4b:s29+s3] =	stream.linear.scatter [tilespmem:s28], [sflag:$0x3], $0x80, $0x38;
	[tilespmem:$0x15A00] =	vst v63  }
0x159: {  	s26 =	sadd.s32 $0xE400, s24  }
0x15a: {  	[hbm4b:s25+s3] =	stream.linear.scatter [tilespmem:s26], [sflag:$0x3], $0x80, $0x38;
	[tilespmem:$0x15A00] =	vst v63  }
0x15b: {  	s30 =	sadd.s32 $0xE488, s24;
	s31 =	sadd.s32 $0x10, s25  }
0x15c: {  	[hbm4b:s31+s3] =	stream.linear.scatter [tilespmem:s30], [sflag:$0x3], $0x80, $0x38;
	[tilespmem:$0x15A00] =	vst v63  }
0x15d: {  	s29 =	sadd.s32 $0xE510, s24;
	s30 =	sadd.s32 $0x20, s25  }
0x15e: {  	[hbm4b:s30+s3] =	stream.linear.scatter [tilespmem:s29], [sflag:$0x3], $0x80, $0x38;
	[tilespmem:$0x15A00] =	vst v63  }
0x15f: {  	s31 =	sadd.s32 $0xE598, s24;
	s29 =	sadd.s32 $0x30, s25  }
0x160: {  	[hbm4b:s29+s3] =	stream.linear.scatter [tilespmem:s31], [sflag:$0x3], $0x80, $0x38;
	[tilespmem:$0x15A00] =	vst v63  }
0x161: {  	s30 =	sadd.s32 $0xE620, s24;
	s31 =	sadd.s32 $0x40, s25  }
0x162: {  	[hbm4b:s31+s3] =	stream.linear.scatter [tilespmem:s30], [sflag:$0x3], $0x80, $0x38;
	[tilespmem:$0x15A00] =	vst v63  }
0x163: {  	p1 =	sne.s32 s22, $0x63;
	s29 =	sadd.s32 $0xE6A8, s24;
	s30 =	sadd.s32 $0x50, s25  }
0x164: {  	[hbm4b:s30+s3] =	stream.linear.scatter [tilespmem:s29], [sflag:$0x3], $0x80, $0x38;
	[tilespmem:$0x15A00] =	vst v63  }
.Ltmp2:
0x165: {  	_ = 	snop;
	(pc) =	sbr.rel @p1 .LBB2_8-.Ltmp2, $4  }
0x166: {  	s31 =	sadd.s32 $0xE730, s24;
	s29 =	sadd.s32 $0x60, s25  }
0x167: {  	[hbm4b:s29+s3] =	stream.linear.scatter [tilespmem:s31], [sflag:$0x3], $0x80, $0x38;
	[tilespmem:$0x15A00] =	vst v63  }
0x168: {  	s30 =	sadd.s32 $0xE7B8, s24;
	s31 =	sadd.s32 $0x70, s25  }
0x169: {  	[hbm4b:s31+s3] =	stream.linear.scatter [tilespmem:s30], [sflag:$0x3], $0x80, $0x38;
	[tilespmem:$0x15A00] =	vst v63  }
.Ltmp3:
0x16a: {  	(pc) =	sbr.rel .LBB2_9-.Ltmp3, $4  }
0x16b: {  	_ = 	snop  }
0x16c: {  	_ =	swait.ge [sflag:s17], $0x4000  }
0x16d: {  	[sflag:s17] =	ssyncset.done $0x0  }
0x16e: {  	v14 =	vmov v58;
	v13 =	vmov v12;
	v9 =	vld [tilespmem:$0x1FE70];
	[sflag:s17] =	ssyncadd.s32 $0xFFFFC000  }
.LBB2_8:
0x16f: {  	s24 =	sshll.u32 s22, $0x8  }
0x170: {  	s24 =	sand.u32 $0x3FFFFF00, s24  }
.Ltmp4:
0x171: {  	s24 =	sadd.s32 $0x100, s24;
	(pc) =	sbr.rel @p0 .LBB2_10-.Ltmp4, $4  }
0x172: {  	[tilespmem:s13], [sflag:$0x1] =	stream.indirect.gather [hbm4b:s4+s9], $0x80, s24, s9, $0xb8;
	[tilespmem:$0x15A00] =	vst v63  }
0x173: {  	_ =	swait.ge [sflag:s17], $0x4000  }
0x174: {  	[sflag:s17] =	ssyncset.done $0x0  }
0x175: {  	v14 =	vmov v58;
	v13 =	vmov v12;
	v9 =	vld [tilespmem:$0x1FE70];
	[sflag:s17] =	ssyncadd.s32 $0xFFFFC000  }
.LBB2_9:
0x176: {  	_ =	swait.ge [sflag:s18], $0x2000  }
0x177: {  	[sflag:s18] =	ssyncset.done $0x0  }
0x178: {  	[sflag:s18] =	ssyncadd.s32 $0xFFFFE000  }
.LBB2_10:
0x179: {  	s24 =	simm.s32 $0x0  }
0x17a: {  	s28 =	simm.s32 $0x1;
	s25 =	simm.s32 $0x2;
	s26 =	simm.s32 $0x3;
	v0 =	vmov s24  }
0x17b: {  	s29 =	simm.s32 $0x4;
	s30 =	simm.s32 $0x5;
	s31 =	simm.s32 $0x6;
	v2 =	vmov s28;
	v3 =	vmov s25;
	v4 =	vmov s26  }
0x17c: {  	v5 =	vmov s29;
	v33 =	vmov s30;
	v34 =	vmov s31;
	s25 =	simm.s32 $0x7;
	s26 =	simm.s32 $0x8  }
0x17d: {  	s28 =	simm.s32 $0x9;
	s29 =	simm.s32 $0xA;
	s30 =	simm.s32 $0xB;
	v0 =	vshrl.u32 v0, $0x3;
	v35 =	vmov s25;
	v36 =	vmov s26  }
0x17e: {  	v6 =	vld [tilespmem:$0x1FEA0];
	s31 =	simm.s32 $0xC;
	v37 =	vmov s28;
	v38 =	vmov s29;
	v39 =	vmov s30;
	s30 =	sshll.u32 s23, $0x6  }
0x17f: {  	v12 =	vld [tilespmem:$0x1FEB0];
	v40 =	vmov s31;
	v2 =	vshrl.u32 v2, $0x3;
	v3 =	vshrl.u32 v3, $0x3;
	s24 =	sand.u32 $0x3FFFFFC0, s30  }
0x180: {  	s28 =	simm.s32 $0xD;
	v4 =	vshrl.u32 v4, $0x3;
	v43 =	vshrl.u32 v33, $0x3;
	v46 =	vshrl.u32 v36, $0x3;
	v36 =	vld [tilespmem:s24+$0x12800]  }
0x181: {  	s29 =	simm.s32 $0xE;
	v44 =	vshrl.u32 v34, $0x3;
	s31 =	simm.s32 $0xF;
	v41 =	vmov s28;
	v45 =	vshrl.u32 v35, $0x3;
	v35 =	vld [tilespmem:s24+$0x12810]  }
0x182: {  	v42 =	vmov s29;
	v0 =	vshll.u32 v0, v1;
	v58 =	vmov s31;
	v34 =	vld [tilespmem:s24+$0x12820]  }
0x183: {  	v47 =	vshrl.u32 v37, $0x3;
	v37 =	vbroadcast v0, $0x0;
	v59 =	vshrl.u32 v58, $0x3;
	v33 =	vld [tilespmem:s24+$0x12830];
	s24 =	simm.s32 $0xABB0  }
0x184: {  	v0 =	vshrl.u32 v41, $0x3;
	v41 =	vshrl.u32 v42, $0x3;
	v42 =	vshll.u32 v59, v1;
	v62 =	vld [tilespmem:s24+$0xFFFFF850]  }
0x185: {  	v40 =	vshrl.u32 v40, $0x3;
	v2 =	vshll.u32 v2, v1;
	v60 =	vld [tilespmem:s24+$0xFFFFFFD0];
	v52 =	vbroadcast v42, $0x0  }
0x186: {  	v3 =	vshll.u32 v3, v1;
	v50 =	vbroadcast v2, $0x0;
	v54 =	vld [tilespmem:s24+$0xFFFFF8D0];
	v55 =	vadd.s32 v6, v37  }
0x187: {  	v2 =	vshll.u32 v40, v1;
	v51 =	vbroadcast v3, $0x0;
	v56 =	vld [tilespmem:s24+$0xFFFFF950];
	v40 =	vadd.s32 v9, v52  }
0x188: {  	v5 =	vshrl.u32 v5, $0x3;
	v4 =	vshll.u32 v4, v1;
	v3 =	vadd.s32 v12, v50  }
0x189: {  	v5 =	vshll.u32 v5, v1;
	v58 =	vadd.s32 v11, v51;
	v42 =	vadd.f32 v62, v36  }
0x18a: {  	v53 =	vshll.u32 v47, v1;
	v47 =	vbroadcast v5, $0x0;
	v5 =	vadd.f32 v60, v36  }
0x18b: {  	v49 =	vbroadcast v4, $0x0;
	v57 =	vld [tilespmem:s24+$0xFFFFF9D0];
	v32 =	vadd.f32 v54, v36;
	[tilespmem:v55+s19+$0x0] =	vst.idx.msk $0xffff, v42  }
0x18c: {  	v20 =	vmov v61;
	v59 =	vld [tilespmem:s24+$0xFFFFFA50];
	[tilespmem:v40+s19+$0x0] =	vst.idx.msk $0xffff, v5;
	v5 =	vadd.f32 v56, v36  }
0x18d: {  	v38 =	vshrl.u32 v38, $0x3;
	v43 =	vshll.u32 v43, v1;
	v60 =	vadd.s32 v61, v49;
	v61 =	vld [tilespmem:s24+$0xFFFFFAD0];
	[tilespmem:v3+s19+$0x0] =	vst.idx.msk $0xffff, v32  }
0x18e: {  	v39 =	vshrl.u32 v39, $0x3;
	v48 =	vshll.u32 v44, v1;
	v44 =	vbroadcast v43, $0x0;
	v62 =	vld [tilespmem:s24+$0xFFFFFB50];
	[tilespmem:v58+s19+$0x0] =	vst.idx.msk $0xffff, v5  }
0x18f: {  	v4 =	vshll.u32 v41, v1;
	v41 =	vbroadcast v48, $0x0;
	v54 =	vadd.s32 v22, v47;
	v7 =	vld [tilespmem:$0x1FF20]  }
0x190: {  	v45 =	vshll.u32 v45, v1;
	v46 =	vshll.u32 v46, v1;
	v40 =	vadd.s32 v26, v44  }
0x191: {  	v48 =	vbroadcast v45, $0x0;
	v43 =	vadd.s32 v63, v41;
	v3 =	vadd.f32 v57, v36;
	v32 =	vld [tilespmem:s24+$0xFFFFFBD0]  }
0x192: {  	v38 =	vshll.u32 v38, v1;
	v39 =	vshll.u32 v39, v1;
	v55 =	vld [tilespmem:s24+$0xFFFFFFE0];
	v5 =	vadd.f32 v59, v36  }
0x193: {  	v45 =	vbroadcast v46, $0x0;
	v57 =	vld [tilespmem:s24+$0xFFFFFC50];
	v59 =	vadd.s32 v9, v48;
	[tilespmem:v60+s19+$0x0] =	vst.idx.msk $0xffff, v3;
	v3 =	vadd.f32 v61, v36  }
0x194: {  	v46 =	vbroadcast v53, $0x0;
	v60 =	vld [tilespmem:s24+$0xFFFFFCD0];
	[tilespmem:v54+s19+$0x0] =	vst.idx.msk $0xffff, v5;
	v5 =	vadd.f32 v62, v36;
	v58 =	vadd.s32 v7, v52  }
0x195: {  	v0 =	vshll.u32 v0, v1;
	v53 =	vadd.s32 v6, v45;
	v42 =	vbroadcast v38, $0x0;
	v54 =	vld [tilespmem:s24+$0xFFFFFD50];
	[tilespmem:v40+s19+$0x0] =	vst.idx.msk $0xffff, v3  }
0x196: {  	v39 =	vbroadcast v39, $0x0;
	v61 =	vld [tilespmem:s24+$0xFFFFFDD0];
	v3 =	vadd.s32 v12, v46;
	[tilespmem:v43+s19+$0x0] =	vst.idx.msk $0xffff, v5;
	v5 =	vadd.f32 v32, v36  }
0x197: {  	v30 =	vmovc v63;
	v56 =	vadd.s32 v11, v42;
	v40 =	vbroadcast v2, $0x0;
	v55 =	vadd.f32 v55, v35;
	v32 =	vld [tilespmem:s24+$0xFFFFFE50]  }
0x198: {  	v2 =	vadd.f32 v57, v36;
	v57 =	vadd.s32 v20, v39;
	v43 =	vbroadcast v4, $0x0;
	v4 =	vld [tilespmem:s24+$0xFFFFF8E0];
	[tilespmem:v59+s19+$0x0] =	vst.idx.msk $0xffff, v5  }
0x199: {  	v63 =	vld [tilespmem:s24+$0xFFFFFED0];
	v38 =	vbroadcast v0, $0x0;
	v0 =	vadd.f32 v60, v36;
	v5 =	vadd.s32 v22, v40;
	[tilespmem:v58+s19+$0x0] =	vst.idx.msk $0xffff, v55  }
0x19a: {  	[tilespmem:v53+s19+$0x0] =	vst.idx.msk $0xffff, v2;
	v59 =	vadd.s32 v14, v50;
	v2 =	vadd.f32 v54, v36;
	v55 =	vld [tilespmem:s24+$0xFFFFFFF0]  }
0x19b: {  	v53 =	vadd.s32 v26, v38;
	v54 =	vld [tilespmem:s24+$0xFFFFFF50];
	[tilespmem:v3+s19+$0x0] =	vst.idx.msk $0xffff, v0;
	v0 =	vadd.f32 v61, v36  }
0x19c: {  	v3 =	vadd.s32 v10, v52;
	[tilespmem:v56+s19+$0x0] =	vst.idx.msk $0xffff, v2;
	v2 =	vadd.f32 v32, v36;
	v58 =	vld [tilespmem:s24+$0xFFFFF960]  }
0x19d: {  	v56 =	vadd.s32 v30, v43;
	v32 =	vld [tilespmem:s24+$0xFFFFF9E0];
	v4 =	vadd.f32 v4, v35;
	[tilespmem:v57+s19+$0x0] =	vst.idx.msk $0xffff, v0  }
0x19e: {  	v61 =	vld [tilespmem:s24+$0xFFFFFA60];
	v0 =	vadd.f32 v63, v36;
	v57 =	vadd.s32 v8, v51;
	[tilespmem:v5+s19+$0x0] =	vst.idx.msk $0xffff, v2  }
0x19f: {  	v5 =	vadd.s32 v21, v49;
	[tilespmem:v59+s19+$0x0] =	vst.idx.msk $0xffff, v4;
	v2 =	vadd.f32 v55, v34  }
0x1a0: {  	[tilespmem:v53+s19+$0x0] =	vst.idx.msk $0xffff, v0;
	v0 =	vadd.f32 v54, v36;
	v53 =	vadd.s32 v31, v47  }
0x1a1: {  	v62 =	vld [tilespmem:s24+$0xFFFFFC60];
	[tilespmem:v3+s19+$0x0] =	vst.idx.msk $0xffff, v2;
	v2 =	vadd.f32 v58, v35  }
0x1a2: {  	[tilespmem:v56+s19+$0x0] =	vst.idx.msk $0xffff, v0;
	v4 =	vadd.f32 v32, v35;
	v55 =	vld [tilespmem:s24+$0xFFFFFAE0]  }
0x1a3: {  	v54 =	vld [tilespmem:s24+$0xFFFFFB60];
	[tilespmem:v57+s19+$0x0] =	vst.idx.msk $0xffff, v2;
	v2 =	vadd.f32 v61, v35  }
0x1a4: {  	v60 =	vld [tilespmem:s24+$0xFFFFFBE0];
	[tilespmem:v5+s19+$0x0] =	vst.idx.msk $0xffff, v4;
	v3 =	vadd.s32 v13, v44  }
0x1a5: {  	v0 =	vld [tilespmem:s24+$0x0];
	[tilespmem:v53+s19+$0x0] =	vst.idx.msk $0xffff, v2  }
0x1a6: {  	v32 =	vadd.s32 v27, v41;
	v5 =	vadd.s32 v7, v48;
	v7 =	vld [tilespmem:$0x1FE60]  }
0x1a7: {  	v52 =	vadd.s32 v29, v52;
	v4 =	vadd.f32 v55, v35;
	v55 =	vld [tilespmem:s24+$0xFFFFFCE0]  }
0x1a8: {  	v2 =	vadd.f32 v54, v35;
	v54 =	vld [tilespmem:s24+$0xFFFFFD60]  }
0x1a9: {  	[tilespmem:v3+s19+$0x0] =	vst.idx.msk $0xffff, v4;
	v3 =	vadd.s32 v14, v46  }
0x1aa: {  	v56 =	vadd.s32 v8, v42;
	v0 =	vadd.f32 v0, v33  }
0x1ab: {  	v4 =	vld [tilespmem:s24+$0xFFFFFDE0];
	[tilespmem:v32+s19+$0x0] =	vst.idx.msk $0xffff, v2;
	v2 =	vadd.f32 v60, v35;
	v53 =	vadd.s32 v7, v45  }
0x1ac: {  	v59 =	vadd.s32 v21, v39;
	[tilespmem:v52+s19+$0x0] =	vst.idx.msk $0xffff, v0;
	v0 =	vadd.f32 v55, v35  }
0x1ad: {  	v57 =	vadd.f32 v62, v35;
	v32 =	vld [tilespmem:s24+$0xFFFFFE60];
	[tilespmem:v5+s19+$0x0] =	vst.idx.msk $0xffff, v2;
	v62 =	vadd.f32 v54, v35  }
0x1ae: {  	v60 =	vld [tilespmem:s24+$0xFFFFFEE0];
	[tilespmem:v3+s19+$0x0] =	vst.idx.msk $0xffff, v0  }
0x1af: {  	v5 =	vld [tilespmem:s24+$0xFFFFFF60];
	[tilespmem:v56+s19+$0x0] =	vst.idx.msk $0xffff, v62  }
0x1b0: {  	v2 =	vadd.s32 v31, v40;
	v52 =	vld [tilespmem:s24+$0xFFFFF860];
	v0 =	vadd.f32 v4, v35;
	[tilespmem:v53+s19+$0x0] =	vst.idx.msk $0xffff, v57  }
0x1b1: {  	v54 =	vadd.s32 v13, v38;
	v15 =	vld [tilespmem:$0x1FF50]  }
0x1b2: {  	v3 =	vadd.s32 v27, v43;
	[tilespmem:v59+s19+$0x0] =	vst.idx.msk $0xffff, v0  }
0x1b3: {  	v4 =	vadd.s32 v7, v37;
	v32 =	vadd.f32 v32, v35;
	v18 =	vld [tilespmem:$0x1FF60]  }
0x1b4: {  	v55 =	vld [tilespmem:s24+$0xFFFFF8F0];
	v0 =	vadd.f32 v60, v35  }
0x1b5: {  	v58 =	vld [tilespmem:s24+$0xFFFFF9F0];
	[tilespmem:v2+s19+$0x0] =	vst.idx.msk $0xffff, v32;
	v2 =	vadd.f32 v5, v35  }
0x1b6: {  	v57 =	vld [tilespmem:s24+$0xFFFFF970];
	v5 =	vadd.f32 v52, v35;
	[tilespmem:v54+s19+$0x0] =	vst.idx.msk $0xffff, v0;
	v56 =	vadd.s32 v15, v50  }
0x1b7: {  	v28 =	vmov v26;
	v26 =	vld [tilespmem:$0x1FF90];
	[tilespmem:v3+s19+$0x0] =	vst.idx.msk $0xffff, v2  }
0x1b8: {  	[tilespmem:v4+s19+$0x0] =	vst.idx.msk $0xffff, v5;
	v59 =	vadd.s32 v18, v51  }
0x1b9: {  	v25 =	vmov v31;
	v52 =	vadd.s32 v19, v49;
	v0 =	vadd.f32 v55, v34;
	v31 =	vld [tilespmem:$0x1FFB0]  }
0x1ba: {  	v53 =	vld [tilespmem:s24+$0xFFFFFAF0]  }
0x1bb: {  	v60 =	vld [tilespmem:s24+$0xFFFFFA70];
	v2 =	vadd.f32 v57, v34;
	[tilespmem:v56+s19+$0x0] =	vst.idx.msk $0xffff, v0  }
0x1bc: {  	v0 =	vadd.f32 v58, v34;
	v32 =	vld [tilespmem:$0x1FFC0]  }
0x1bd: {  	v62 =	vld [tilespmem:s24+$0xFFFFFB70];
	v61 =	vadd.s32 v26, v47;
	[tilespmem:v59+s19+$0x0] =	vst.idx.msk $0xffff, v2  }
0x1be: {  	v4 =	vld [tilespmem:s24+$0xFFFFFBF0];
	v3 =	vadd.s32 v31, v44;
	[tilespmem:v52+s19+$0x0] =	vst.idx.msk $0xffff, v0  }
0x1bf: {  	v63 =	vmov v8;
	v8 =	vld [tilespmem:$0x1FF40]  }
0x1c0: {  	v57 =	vadd.s32 v10, v48;
	v2 =	vadd.f32 v60, v34  }
0x1c1: {  	v58 =	vld [tilespmem:s24+$0xFFFFFCF0];
	v0 =	vadd.f32 v53, v34;
	v5 =	vadd.s32 v32, v41  }
0x1c2: {  	v56 =	vld [tilespmem:s24+$0xFFFFFC70];
	[tilespmem:v61+s19+$0x0] =	vst.idx.msk $0xffff, v2  }
0x1c3: {  	v60 =	vld [tilespmem:s24+$0xFFFFFD70];
	v61 =	vadd.s32 v15, v46;
	[tilespmem:v3+s19+$0x0] =	vst.idx.msk $0xffff, v0;
	v0 =	vadd.f32 v4, v34  }
0x1c4: {  	v59 =	vld [tilespmem:s24+$0xFFFFF870];
	v2 =	vadd.f32 v62, v34;
	v52 =	vadd.s32 v8, v45  }
0x1c5: {  	v53 =	vld [tilespmem:s24+$0xFFFFF900];
	[tilespmem:v57+s19+$0x0] =	vst.idx.msk $0xffff, v0  }
0x1c6: {  	v62 =	vld [tilespmem:s24+$0xFFFFFDF0];
	v0 =	vadd.f32 v58, v34;
	[tilespmem:v5+s19+$0x0] =	vst.idx.msk $0xffff, v2;
	v5 =	vadd.s32 v18, v42  }
0x1c7: {  	v3 =	vld [tilespmem:s24+$0xFFFFFE70];
	v2 =	vadd.f32 v56, v34  }
0x1c8: {  	v4 =	vld [tilespmem:s24+$0xFFFFFEF0];
	v57 =	vadd.s32 v19, v39;
	[tilespmem:v61+s19+$0x0] =	vst.idx.msk $0xffff, v0  }
0x1c9: {  	v61 =	vld [tilespmem:s24+$0xFFFFFA00];
	[tilespmem:v52+s19+$0x0] =	vst.idx.msk $0xffff, v2;
	v2 =	vadd.f32 v60, v34  }
0x1ca: {  	v58 =	vadd.s32 v26, v40;
	v56 =	vld [tilespmem:s24+$0xFFFFFF70]  }
0x1cb: {  	v0 =	vadd.f32 v62, v34;
	v52 =	vadd.s32 v31, v38;
	v60 =	vld [tilespmem:s24+$0xFFFFF980];
	[tilespmem:v5+s19+$0x0] =	vst.idx.msk $0xffff, v2  }
0x1cc: {  	v24 =	vmovc v22;
	s26 =	simm.s32 $0x10;
	v22 =	vmov v19;
	v50 =	vadd.s32 v16, v50;
	v54 =	vadd.s32 v32, v43;
	v19 =	vld [tilespmem:$0x1FF70]  }
0x1cd: {  	v55 =	vadd.s32 v8, v37;
	v3 =	vadd.f32 v3, v34;
	v2 =	vmov s26;
	[tilespmem:v57+s19+$0x0] =	vst.idx.msk $0xffff, v0;
	v57 =	vld [tilespmem:s24+$0xFFFFFB00]  }
0x1ce: {  	v4 =	vadd.f32 v4, v34;
	v0 =	vshrl.u32 v2, $0x3;
	v2 =	vadd.f32 v59, v34;
	v59 =	vld [tilespmem:s24+$0xFFFFFC00]  }
0x1cf: {  	v56 =	vadd.f32 v56, v34;
	v23 =	vld [tilespmem:$0x1FF80];
	[tilespmem:v58+s19+$0x0] =	vst.idx.msk $0xffff, v3  }
0x1d0: {  	v17 =	vmov v11;
	v11 =	vld [tilespmem:$0x1FFA0];
	[tilespmem:v52+s19+$0x0] =	vst.idx.msk $0xffff, v4  }
0x1d1: {  	v53 =	vadd.f32 v53, v33;
	v5 =	vld [tilespmem:$0x1FFD0];
	[tilespmem:v54+s19+$0x0] =	vst.idx.msk $0xffff, v56  }
0x1d2: {  	s28 =	simm.s32 $0x11;
	v9 =	vmov v27;
	v48 =	vadd.s32 v29, v48;
	v62 =	vld [tilespmem:$0x1FF10];
	[tilespmem:v55+s19+$0x0] =	vst.idx.msk $0xffff, v2  }
0x1d3: {  	s29 =	simm.s32 $0x12;
	v27 =	vmovc v13;
	v46 =	vadd.s32 v16, v46;
	v3 =	vmov s28;
	[tilespmem:v50+s19+$0x0] =	vst.idx.msk $0xffff, v53;
	v13 =	vadd.s32 v19, v51;
	v51 =	vld [tilespmem:s24+$0xFFFFFA80]  }
0x1d4: {  	s30 =	simm.s32 $0x13;
	v0 =	vshll.u32 v0, v1;
	v4 =	vmov s29;
	v7 =	vld [tilespmem:$0x1FF30];
	v49 =	vadd.s32 v23, v49  }
0x1d5: {  	v58 =	vld [tilespmem:s24+$0xFFFFFB80];
	v52 =	vadd.f32 v60, v33;
	v54 =	vmov s30;
	v47 =	vadd.s32 v11, v47  }
0x1d6: {  	v60 =	vld [tilespmem:s24+$0xFFFFFC80];
	v56 =	vadd.f32 v61, v33;
	v50 =	vadd.f32 v57, v33;
	v44 =	vadd.s32 v5, v44  }
0x1d7: {  	s31 =	simm.s32 $0x14;
	v55 =	vld [tilespmem:s24+$0xFFFFFD00];
	v42 =	vadd.s32 v19, v42;
	v39 =	vadd.s32 v23, v39;
	v40 =	vadd.s32 v11, v40  }
0x1d8: {  	s26 =	simm.s32 $0x15;
	v2 =	vmov s31;
	v57 =	vld [tilespmem:s24+$0xFFFFFD80];
	v41 =	vadd.s32 v62, v41;
	v51 =	vadd.f32 v51, v33;
	[tilespmem:v13+s19+$0x0] =	vst.idx.msk $0xffff, v52  }
0x1d9: {  	v53 =	vmov s26;
	s31 =	simm.s32 $0x19;
	v38 =	vadd.s32 v5, v38;
	v45 =	vadd.s32 v7, v45;
	[tilespmem:v49+s19+$0x0] =	vst.idx.msk $0xffff, v56  }
0x1da: {  	s28 =	simm.s32 $0x16;
	v61 =	vmov s31;
	s31 =	simm.s32 $0x1E;
	v52 =	vadd.f32 v58, v33;
	v58 =	vld [tilespmem:s24+$0xFFFFFE00];
	v49 =	vadd.f32 v59, v33;
	[tilespmem:v47+s19+$0x0] =	vst.idx.msk $0xffff, v51  }
0x1db: {  	s29 =	simm.s32 $0x17;
	v43 =	vadd.s32 v62, v43;
	v62 =	vmov s31;
	v13 =	vmov s28;
	v59 =	vld [tilespmem:s24+$0xFFFFFE80];
	[tilespmem:v44+s19+$0x0] =	vst.idx.msk $0xffff, v50  }
0x1dc: {  	v29 =	vmovc v10;
	s30 =	simm.s32 $0x18;
	v37 =	vadd.s32 v7, v37;
	v56 =	vmov s29;
	v51 =	vadd.f32 v60, v33;
	v60 =	vld [tilespmem:s24+$0xFFFFFF00];
	[tilespmem:v48+s19+$0x0] =	vst.idx.msk $0xffff, v49  }
0x1dd: {  	v10 =	vmovc v12;
	s26 =	simm.s32 $0x1A;
	s28 =	simm.s32 $0x1B;
	v47 =	vmov s30;
	v44 =	vadd.f32 v55, v33;
	v50 =	vld [tilespmem:s24+$0xFFFFFF80];
	v55 =	vadd.f32 v57, v33;
	[tilespmem:v41+s19+$0x0] =	vst.idx.msk $0xffff, v52  }
0x1de: {  	v12 =	vmovc v15;
	v15 =	vmovc v63;
	s29 =	simm.s32 $0x1C;
	v57 =	vmov s28;
	v47 =	vshrl.u32 v47, $0x3;
	v41 =	vmov s26;
	v52 =	vld [tilespmem:s24+$0xFFFFF880];
	[tilespmem:v45+s19+$0x0] =	vst.idx.msk $0xffff, v51  }
0x1df: {  	v11 =	vmovc v14;
	v14 =	vmovc v17;
	v48 =	vadd.f32 v58, v33;
	v58 =	vmov s29;
	[tilespmem:v46+s19+$0x0] =	vst.idx.msk $0xffff, v44;
	v44 =	vshrl.u32 v3, $0x3  }
0x1e0: {  	v17 =	vmovc v19;
	[tilespmem:v42+s19+$0x0] =	vst.idx.msk $0xffff, v55;
	v45 =	vshrl.u32 v54, $0x3;
	v51 =	vshrl.u32 v2, $0x3;
	v49 =	vadd.f32 v59, v33  }
0x1e1: {  	v19 =	vmovc v21;
	s30 =	simm.s32 $0x1D;
	v46 =	vshrl.u32 v56, $0x3;
	v42 =	vshrl.u32 v41, $0x3;
	v60 =	vadd.f32 v60, v33;
	[tilespmem:v39+s19+$0x0] =	vst.idx.msk $0xffff, v48  }
0x1e2: {  	v21 =	vmovc v23;
	v23 =	vmovc v25;
	v59 =	vmov s30;
	v41 =	vshrl.u32 v58, $0x3;
	v3 =	vadd.f32 v50, v33;
	[tilespmem:v40+s19+$0x0] =	vst.idx.msk $0xffff, v49  }
0x1e3: {  	v7 =	vmovc v6;
	v48 =	vshrl.u32 v53, $0x3;
	v50 =	vshrl.u32 v4, $0x3;
	v4 =	vadd.f32 v52, v33;
	[tilespmem:v38+s19+$0x0] =	vst.idx.msk $0xffff, v60  }
0x1e4: {  	v39 =	vshrl.u32 v59, $0x3;
	v49 =	vshrl.u32 v13, $0x3;
	v40 =	vshrl.u32 v62, $0x3;
	v13 =	vmovc v16;
	v16 =	vmovc v18;
	[tilespmem:v43+s19+$0x0] =	vst.idx.msk $0xffff, v3  }
0x1e5: {  	v18 =	vmovc v20;
	v20 =	vmovc v22;
	v22 =	vmov v24;
	v24 =	vmov v26;
	v26 =	vmov v28;
	[tilespmem:v37+s19+$0x0] =	vst.idx.msk $0xffff, v4  }
0x1e6: {  	s25 =	simm.s32 $0x20;
	s26 =	simm.s32 $0x1F;
	v28 =	vmovc v31;
	v31 =	vmovc v9;
	v38 =	vshrl.u32 v61, $0x3;
	v43 =	vshrl.u32 v57, $0x3;
	v37 =	vbroadcast v0, $0x0;
	v9 =	vld [tilespmem:$0x1FE70]  }
.LBB2_11:
0x1e7: {  	v0 =	vshll.u32 v44, v1  }
0x1e8: {  	v2 =	vshll.u32 v50, v1;
	v3 =	vmov s26;
	v4 =	vshll.u32 v45, v1  }
0x1e9: {  	v5 =	vshll.u32 v51, v1;
	v44 =	vshll.u32 v48, v1;
	s24 =	sadd.s32 $0x800, s24;
	v25 =	vld [tilespmem:$0x1FF20];
	v3 =	vshrl.u32 v3, $0x3  }
0x1ea: {  	v45 =	vshll.u32 v49, v1;
	v46 =	vshll.u32 v46, v1;
	v48 =	vld [tilespmem:s24+$0xFFFFFFD0];
	v3 =	vshll.u32 v3, v1  }
0x1eb: {  	v53 =	vshll.u32 v47, v1;
	v55 =	vshll.u32 v43, v1;
	v43 =	vld [tilespmem:s24+$0xFFFFF8D0];
	v52 =	vbroadcast v3, $0x0  }
0x1ec: {  	v38 =	vshll.u32 v38, v1;
	v54 =	vshll.u32 v42, v1;
	v50 =	vbroadcast v0, $0x0;
	v3 =	vld [tilespmem:s24+$0xFFFFF850]  }
0x1ed: {  	v0 =	vshll.u32 v41, v1;
	v56 =	vadd.s32 v7, v37;
	v57 =	vld [tilespmem:s24+$0xFFFFF950];
	v41 =	vadd.s32 v9, v52  }
0x1ee: {  	v51 =	vbroadcast v2, $0x0;
	v2 =	vshll.u32 v39, v1;
	v59 =	vld [tilespmem:s24+$0xFFFFF9D0];
	v49 =	vbroadcast v4, $0x0  }
0x1ef: {  	v4 =	vshll.u32 v40, v1;
	v60 =	vld [tilespmem:s24+$0xFFFFFA50];
	v47 =	vbroadcast v5, $0x0;
	v58 =	vadd.s32 v10, v50  }
0x1f0: {  	v62 =	vld [tilespmem:s24+$0xFFFFFAD0];
	v42 =	vbroadcast v44, $0x0;
	v40 =	vadd.s32 v14, v51;
	v5 =	vadd.f32 v48, v36  }
0x1f1: {  	v6 =	vld [tilespmem:s24+$0xFFFFFB50];
	v39 =	vbroadcast v45, $0x0;
	v61 =	vadd.s32 v18, v49;
	v3 =	vadd.f32 v3, v36  }
0x1f2: {  	v63 =	vadd.s32 v22, v47;
	v43 =	vadd.f32 v43, v36;
	v48 =	vbroadcast v46, $0x0;
	v46 =	vld [tilespmem:s24+$0xFFFFFC50];
	[tilespmem:v41+s19+$0x0] =	vst.idx.msk $0xffff, v5  }
0x1f3: {  	[tilespmem:v56+s19+$0x0] =	vst.idx.msk $0xffff, v3;
	v3 =	vadd.f32 v57, v36;
	v5 =	vadd.s32 v26, v42;
	v41 =	vld [tilespmem:s24+$0xFFFFFFE0]  }
0x1f4: {  	v44 =	vbroadcast v53, $0x0;
	[tilespmem:v58+s19+$0x0] =	vst.idx.msk $0xffff, v43;
	v43 =	vadd.f32 v59, v36;
	v56 =	vadd.s32 v30, v39;
	v57 =	vld [tilespmem:s24+$0xFFFFFBD0]  }
0x1f5: {  	v45 =	vbroadcast v38, $0x0;
	v53 =	vadd.s32 v25, v52;
	v59 =	vld [tilespmem:s24+$0xFFFFFCD0];
	[tilespmem:v40+s19+$0x0] =	vst.idx.msk $0xffff, v3;
	v3 =	vadd.f32 v60, v36  }
0x1f6: {  	v58 =	vadd.s32 v9, v48;
	[tilespmem:v61+s19+$0x0] =	vst.idx.msk $0xffff, v43;
	v43 =	vbroadcast v54, $0x0;
	v54 =	vld [tilespmem:s24+$0xFFFFFDD0];
	v40 =	vadd.f32 v62, v36  }
0x1f7: {  	v38 =	vbroadcast v2, $0x0;
	v60 =	vld [tilespmem:s24+$0xFFFFFD50];
	[tilespmem:v63+s19+$0x0] =	vst.idx.msk $0xffff, v3;
	v3 =	vadd.f32 v6, v36;
	v6 =	vadd.s32 v7, v44  }
0x1f8: {  	v62 =	vld [tilespmem:s24+$0xFFFFFED0];
	[tilespmem:v5+s19+$0x0] =	vst.idx.msk $0xffff, v40;
	v5 =	vadd.s32 v10, v45;
	v40 =	vbroadcast v55, $0x0;
	v55 =	vadd.f32 v41, v35  }
0x1f9: {  	[tilespmem:v56+s19+$0x0] =	vst.idx.msk $0xffff, v3;
	v3 =	vadd.f32 v57, v36;
	v56 =	vadd.s32 v14, v43;
	v57 =	vld [tilespmem:s24+$0xFFFFFE50];
	v41 =	vbroadcast v0, $0x0  }
0x1fa: {  	v0 =	vadd.f32 v46, v36;
	v46 =	vbroadcast v4, $0x0;
	v4 =	vld [tilespmem:s24+$0xFFFFF8E0];
	v61 =	vadd.s32 v18, v40;
	[tilespmem:v53+s19+$0x0] =	vst.idx.msk $0xffff, v55  }
0x1fb: {  	v2 =	vadd.f32 v59, v36;
	[tilespmem:v58+s19+$0x0] =	vst.idx.msk $0xffff, v3;
	v3 =	vadd.s32 v22, v41;
	v53 =	vld [tilespmem:s24+$0xFFFFFFF0]  }
0x1fc: {  	v55 =	vld [tilespmem:s24+$0xFFFFFF50];
	[tilespmem:v6+s19+$0x0] =	vst.idx.msk $0xffff, v0;
	v0 =	vadd.f32 v60, v36;
	v6 =	vadd.s32 v26, v38  }
0x1fd: {  	v58 =	vld [tilespmem:s24+$0xFFFFF9E0];
	[tilespmem:v5+s19+$0x0] =	vst.idx.msk $0xffff, v2;
	v2 =	vadd.f32 v54, v36;
	v5 =	vadd.s32 v29, v52  }
0x1fe: {  	v54 =	vld [tilespmem:s24+$0xFFFFF960];
	[tilespmem:v56+s19+$0x0] =	vst.idx.msk $0xffff, v0;
	v0 =	vadd.f32 v57, v36;
	v56 =	vadd.s32 v30, v46  }
0x1ff: {  	v60 =	vld [tilespmem:s24+$0xFFFFFA60];
	v57 =	vadd.s32 v11, v50;
	[tilespmem:v61+s19+$0x0] =	vst.idx.msk $0xffff, v2;
	v2 =	vadd.f32 v62, v36  }
0x200: {  	v59 =	vadd.s32 v15, v51;
	v63 =	vld [tilespmem:s24+$0xFFFFFD60];
	[tilespmem:v3+s19+$0x0] =	vst.idx.msk $0xffff, v0;
	v0 =	vadd.f32 v53, v34  }
0x201: {  	v3 =	vadd.s32 v19, v49;
	v53 =	vld [tilespmem:s24+$0xFFFFFAE0];
	[tilespmem:v6+s19+$0x0] =	vst.idx.msk $0xffff, v2;
	v2 =	vadd.f32 v55, v36  }
0x202: {  	v4 =	vadd.f32 v4, v35;
	v55 =	vld [tilespmem:s24+$0xFFFFFB60];
	[tilespmem:v5+s19+$0x0] =	vst.idx.msk $0xffff, v0  }
0x203: {  	v6 =	vadd.s32 v23, v47;
	v0 =	vadd.f32 v54, v35;
	[tilespmem:v56+s19+$0x0] =	vst.idx.msk $0xffff, v2;
	v56 =	vld [tilespmem:s24+$0xFFFFFBE0]  }
0x204: {  	v5 =	vadd.s32 v27, v42;
	[tilespmem:v57+s19+$0x0] =	vst.idx.msk $0xffff, v4;
	v4 =	vadd.f32 v58, v35;
	v57 =	vld [tilespmem:s24+$0xFFFFFC60]  }
0x205: {  	v54 =	vadd.s32 v31, v39;
	[tilespmem:v59+s19+$0x0] =	vst.idx.msk $0xffff, v0;
	v0 =	vadd.f32 v60, v35;
	v60 =	vld [tilespmem:$0x1FE90]  }
0x206: {  	[tilespmem:v3+s19+$0x0] =	vst.idx.msk $0xffff, v4;
	v4 =	vadd.s32 v25, v48;
	v25 =	vld [tilespmem:$0x1FE60]  }
0x207: {  	v3 =	vadd.f32 v53, v35;
	v53 =	vld [tilespmem:s24+$0xFFFFFCE0]  }
0x208: {  	v2 =	vld [tilespmem:s24+$0x0];
	[tilespmem:v6+s19+$0x0] =	vst.idx.msk $0xffff, v0;
	v0 =	vadd.f32 v55, v35  }
0x209: {  	[tilespmem:v5+s19+$0x0] =	vst.idx.msk $0xffff, v3;
	v3 =	vadd.s32 v11, v45;
	v5 =	vld [tilespmem:s24+$0xFFFFFDE0]  }
0x20a: {  	v62 =	vld [tilespmem:s24+$0xFFFFFEE0];
	[tilespmem:v54+s19+$0x0] =	vst.idx.msk $0xffff, v0;
	v0 =	vadd.f32 v56, v35;
	v52 =	vadd.s32 v60, v52  }
0x20b: {  	v58 =	vld [tilespmem:$0x1FFA0];
	v6 =	vadd.s32 v25, v44  }
0x20c: {  	v61 =	vadd.s32 v19, v40;
	v59 =	vld [tilespmem:$0x1FFD0];
	[tilespmem:v4+s19+$0x0] =	vst.idx.msk $0xffff, v0;
	v0 =	vadd.f32 v53, v35  }
0x20d: {  	v57 =	vadd.f32 v57, v35;
	v2 =	vadd.f32 v2, v33;
	v54 =	vadd.s32 v15, v43;
	v56 =	vld [tilespmem:s24+$0xFFFFFE60]  }
0x20e: {  	v4 =	vld [tilespmem:s24+$0xFFFFFF60];
	v53 =	vadd.s32 v27, v38;
	[tilespmem:v3+s19+$0x0] =	vst.idx.msk $0xffff, v0;
	v0 =	vadd.f32 v5, v35  }
0x20f: {  	v5 =	vadd.s32 v25, v37;
	v25 =	vld [tilespmem:$0x1FF10];
	[tilespmem:v52+s19+$0x0] =	vst.idx.msk $0xffff, v2;
	v2 =	vadd.s32 v23, v41  }
0x210: {  	v52 =	vld [tilespmem:s24+$0xFFFFF860];
	[tilespmem:v6+s19+$0x0] =	vst.idx.msk $0xffff, v57;
	v6 =	vadd.f32 v63, v35  }
0x211: {  	v3 =	vadd.s32 v31, v46;
	v63 =	vld [tilespmem:s24+$0xFFFFF8F0];
	[tilespmem:v61+s19+$0x0] =	vst.idx.msk $0xffff, v0;
	v0 =	vadd.f32 v62, v35  }
0x212: {  	v57 =	vld [tilespmem:s24+$0xFFFFF970];
	[tilespmem:v54+s19+$0x0] =	vst.idx.msk $0xffff, v6;
	v6 =	vadd.f32 v56, v35  }
0x213: {  	v55 =	vadd.s32 v8, v37;
	v54 =	vadd.s32 v12, v50;
	v56 =	vld [tilespmem:s24+$0xFFFFF9F0];
	[tilespmem:v53+s19+$0x0] =	vst.idx.msk $0xffff, v0  }
0x214: {  	v61 =	vadd.s32 v16, v51;
	v62 =	vld [tilespmem:s24+$0xFFFFFA70];
	[tilespmem:v2+s19+$0x0] =	vst.idx.msk $0xffff, v6;
	v2 =	vadd.f32 v4, v35  }
0x215: {  	v53 =	vadd.s32 v24, v47;
	v4 =	vadd.f32 v52, v35;
	v6 =	vadd.s32 v20, v49;
	v52 =	vld [tilespmem:s24+$0xFFFFFAF0]  }
0x216: {  	v47 =	vadd.s32 v58, v47;
	v0 =	vadd.f32 v63, v34;
	v63 =	vld [tilespmem:s24+$0xFFFFFB70];
	[tilespmem:v3+s19+$0x0] =	vst.idx.msk $0xffff, v2  }
0x217: {  	[tilespmem:v5+s19+$0x0] =	vst.idx.msk $0xffff, v4;
	v2 =	vadd.f32 v57, v34;
	v3 =	vadd.s32 v28, v42;
	v4 =	vld [tilespmem:s24+$0xFFFFFBF0]  }
0x218: {  	[tilespmem:v54+s19+$0x0] =	vst.idx.msk $0xffff, v0;
	v0 =	vadd.f32 v56, v34;
	v5 =	vadd.s32 v32, v39;
	v54 =	vld [tilespmem:s24+$0xFFFFFC70]  }
0x219: {  	[tilespmem:v61+s19+$0x0] =	vst.idx.msk $0xffff, v2;
	v2 =	vadd.f32 v62, v34;
	v61 =	vadd.s32 v29, v48;
	v62 =	vld [tilespmem:s24+$0xFFFFFCF0]  }
0x21a: {  	v49 =	vadd.s32 v21, v49;
	[tilespmem:v6+s19+$0x0] =	vst.idx.msk $0xffff, v0;
	v0 =	vadd.f32 v52, v34;
	v52 =	vld [tilespmem:s24+$0xFFFFFD70]  }
0x21b: {  	v6 =	vadd.s32 v8, v44;
	[tilespmem:v53+s19+$0x0] =	vst.idx.msk $0xffff, v2;
	v2 =	vadd.f32 v63, v34;
	v63 =	vld [tilespmem:s24+$0xFFFFFDF0]  }
0x21c: {  	v53 =	vadd.s32 v12, v45;
	[tilespmem:v3+s19+$0x0] =	vst.idx.msk $0xffff, v0;
	v0 =	vadd.f32 v4, v34;
	v4 =	vld [tilespmem:s24+$0xFFFFFE70]  }
0x21d: {  	v3 =	vadd.s32 v16, v43;
	[tilespmem:v5+s19+$0x0] =	vst.idx.msk $0xffff, v2;
	v2 =	vadd.f32 v54, v34;
	v54 =	vld [tilespmem:s24+$0xFFFFFEF0]  }
0x21e: {  	v56 =	vadd.s32 v24, v41;
	v5 =	vadd.s32 v20, v40;
	[tilespmem:v61+s19+$0x0] =	vst.idx.msk $0xffff, v0;
	v61 =	vld [tilespmem:s24+$0xFFFFFF70]  }
0x21f: {  	v42 =	vadd.s32 v59, v42;
	v41 =	vadd.s32 v58, v41;
	v0 =	vadd.f32 v62, v34;
	v62 =	vld [tilespmem:s24+$0xFFFFF870]  }
0x220: {  	[tilespmem:v6+s19+$0x0] =	vst.idx.msk $0xffff, v2;
	v2 =	vadd.f32 v52, v34;
	v6 =	vadd.s32 v28, v38;
	v52 =	vld [tilespmem:s24+$0xFFFFF900]  }
0x221: {  	[tilespmem:v53+s19+$0x0] =	vst.idx.msk $0xffff, v0;
	v0 =	vadd.f32 v63, v34;
	v53 =	vadd.s32 v32, v46;
	v63 =	vld [tilespmem:s24+$0xFFFFF980]  }
0x222: {  	[tilespmem:v3+s19+$0x0] =	vst.idx.msk $0xffff, v2;
	v2 =	vadd.f32 v4, v34;
	v3 =	vadd.s32 v13, v50;
	v4 =	vld [tilespmem:s24+$0xFFFFFA00]  }
0x223: {  	v50 =	vadd.s32 v17, v51;
	v51 =	vld [tilespmem:s24+$0xFFFFFA80];
	[tilespmem:v5+s19+$0x0] =	vst.idx.msk $0xffff, v0;
	v0 =	vadd.f32 v54, v34  }
0x224: {  	v48 =	vadd.s32 v60, v48;
	v54 =	vld [tilespmem:s24+$0xFFFFFC00];
	[tilespmem:v56+s19+$0x0] =	vst.idx.msk $0xffff, v2;
	v2 =	vadd.f32 v61, v34  }
0x225: {  	v45 =	vadd.s32 v13, v45;
	v61 =	vadd.f32 v62, v34;
	v62 =	vld [tilespmem:s24+$0xFFFFFB00];
	[tilespmem:v6+s19+$0x0] =	vst.idx.msk $0xffff, v0  }
0x226: {  	v38 =	vadd.s32 v59, v38;
	v5 =	vmov s25;
	v6 =	vadd.f32 v52, v33;
	v52 =	vld [tilespmem:s24+$0xFFFFFB80];
	[tilespmem:v53+s19+$0x0] =	vst.idx.msk $0xffff, v2  }
0x227: {  	s31 =	sadd.s32 $0x1, s25;
	v46 =	vadd.s32 v25, v46;
	v5 =	vshrl.u32 v5, $0x3;
	[tilespmem:v55+s19+$0x0] =	vst.idx.msk $0xffff, v61;
	v63 =	vadd.f32 v63, v33;
	v61 =	vld [tilespmem:$0x1FF30]  }
0x228: {  	s28 =	sadd.s32 $0x2, s25;
	v0 =	vmov s31;
	[tilespmem:v3+s19+$0x0] =	vst.idx.msk $0xffff, v6;
	v3 =	vadd.f32 v4, v33;
	v4 =	vadd.s32 v25, v39;
	v6 =	vld [tilespmem:s24+$0xFFFFFC80]  }
0x229: {  	s29 =	sadd.s32 $0x3, s25;
	s31 =	sadd.s32 $0x5, s25;
	v5 =	vshll.u32 v5, v1;
	v2 =	vmov s28;
	[tilespmem:v50+s19+$0x0] =	vst.idx.msk $0xffff, v63;
	v50 =	vadd.f32 v51, v33;
	v51 =	vld [tilespmem:s24+$0xFFFFFD00]  }
0x22a: {  	s30 =	sadd.s32 $0x4, s25;
	v55 =	vmov s29;
	v53 =	vmov s31;
	s28 =	sadd.s32 $0x6, s25;
	[tilespmem:v49+s19+$0x0] =	vst.idx.msk $0xffff, v3;
	v3 =	vadd.f32 v62, v33  }
0x22b: {  	s31 =	sadd.s32 $0x9, s25;
	v39 =	vmov s30;
	v56 =	vmov s28;
	v63 =	vld [tilespmem:s24+$0xFFFFFE00];
	[tilespmem:v47+s19+$0x0] =	vst.idx.msk $0xffff, v50;
	v62 =	vadd.f32 v52, v33  }
0x22c: {  	v60 =	vld [tilespmem:s24+$0xFFFFFD80];
	v57 =	vmov s31;
	s28 =	sadd.s32 $0xA, s25;
	v44 =	vadd.s32 v61, v44;
	[tilespmem:v42+s19+$0x0] =	vst.idx.msk $0xffff, v3;
	v3 =	vadd.f32 v54, v33  }
0x22d: {  	v58 =	vmov s28;
	v47 =	vld [tilespmem:s24+$0xFFFFFF80];
	[tilespmem:v4+s19+$0x0] =	vst.idx.msk $0xffff, v62;
	v4 =	vadd.f32 v6, v33;
	v6 =	vadd.s32 v21, v40  }
0x22e: {  	s29 =	sadd.s32 $0x7, s25;
	s30 =	sadd.s32 $0x8, s25;
	v49 =	vshrl.u32 v56, $0x3;
	v42 =	vadd.s32 v17, v43;
	v40 =	vld [tilespmem:s24+$0xFFFFFF00];
	[tilespmem:v48+s19+$0x0] =	vst.idx.msk $0xffff, v3;
	v3 =	vadd.f32 v51, v33  }
0x22f: {  	v52 =	vmov s29;
	s29 =	sadd.s32 $0xB, s25;
	v50 =	vshrl.u32 v2, $0x3;
	v43 =	vld [tilespmem:s24+$0xFFFFFE80];
	v54 =	vmov s30  }
0x230: {  	s31 =	sadd.s32 $0xD, s25;
	s28 =	sadd.s32 $0xE, s25;
	v59 =	vmov s29;
	v37 =	vadd.s32 v61, v37;
	v48 =	vld [tilespmem:s24+$0xFFFFF880];
	[tilespmem:v45+s19+$0x0] =	vst.idx.msk $0xffff, v3;
	v3 =	vadd.f32 v63, v33  }
0x231: {  	v61 =	vmov s31;
	v62 =	vmov s28;
	[tilespmem:v44+s19+$0x0] =	vst.idx.msk $0xffff, v4;
	v4 =	vadd.f32 v60, v33  }
0x232: {  	p0 =	slt.u32 s25, $0x70;
	v51 =	vshrl.u32 v39, $0x3;
	v44 =	vshrl.u32 v0, $0x3;
	v0 =	vadd.f32 v47, v33;
	[tilespmem:v6+s19+$0x0] =	vst.idx.msk $0xffff, v3  }
.Ltmp5:
0x233: {  	s30 =	sadd.s32 $0xC, s25;
	v39 =	vshrl.u32 v61, $0x3;
	v45 =	vshrl.u32 v55, $0x3;
	v3 =	vadd.f32 v40, v33;
	[tilespmem:v42+s19+$0x0] =	vst.idx.msk $0xffff, v4;
	(pc) =	sbr.rel @p0 .LBB2_11-.Ltmp5, $4  }
0x234: {  	v60 =	vmov s30;
	v47 =	vshrl.u32 v54, $0x3;
	v4 =	vadd.f32 v43, v33;
	[tilespmem:v46+s19+$0x0] =	vst.idx.msk $0xffff, v0  }
0x235: {  	v40 =	vshrl.u32 v62, $0x3;
	v2 =	vadd.f32 v48, v33;
	v48 =	vshrl.u32 v53, $0x3;
	[tilespmem:v38+s19+$0x0] =	vst.idx.msk $0xffff, v3  }
0x236: {  	v46 =	vshrl.u32 v52, $0x3;
	v42 =	vshrl.u32 v58, $0x3;
	v43 =	vshrl.u32 v59, $0x3;
	[tilespmem:v41+s19+$0x0] =	vst.idx.msk $0xffff, v4  }
0x237: {  	s26 =	sadd.s32 $0xF, s25;
	s25 =	sadd.s32 $0x10, s25;
	v38 =	vshrl.u32 v57, $0x3;
	[tilespmem:v37+s19+$0x0] =	vst.idx.msk $0xffff, v2;
	v41 =	vshrl.u32 v60, $0x3;
	v37 =	vbroadcast v5, $0x0  }
0x238: {  	v3 =	vmov s26;
	s24 =	sadd.s32 $0x800, s24  }
0x239: {  	v3 =	vshrl.u32 v3, $0x3;
	v63 =	vld [tilespmem:s24+$0xFFFFFFD0]  }
0x23a: {  	v0 =	vshll.u32 v44, v1;
	v60 =	vld [tilespmem:s24+$0xFFFFF850];
	v3 =	vshll.u32 v3, v1  }
0x23b: {  	v2 =	vshll.u32 v50, v1;
	v44 =	vshll.u32 v49, v1;
	v3 =	vbroadcast v3, $0x0  }
0x23c: {  	v49 =	vshll.u32 v38, v1;
	v61 =	vld [tilespmem:s24+$0xFFFFF8D0];
	v38 =	vbroadcast v0, $0x0;
	v53 =	vadd.s32 v7, v37  }
0x23d: {  	v0 =	vshll.u32 v41, v1;
	v54 =	vld [tilespmem:s24+$0xFFFFF950];
	v41 =	vbroadcast v2, $0x0;
	v52 =	vadd.s32 v9, v3  }
0x23e: {  	v4 =	vshll.u32 v45, v1;
	v55 =	vadd.s32 v10, v38  }
0x23f: {  	v56 =	vld [tilespmem:s24+$0xFFFFF9D0];
	v57 =	vadd.s32 v14, v41;
	v62 =	vadd.f32 v63, v36;
	v63 =	vadd.f32 v60, v36  }
0x240: {  	v5 =	vshll.u32 v51, v1;
	v2 =	vshll.u32 v39, v1;
	v39 =	vbroadcast v4, $0x0  }
0x241: {  	v6 =	vshll.u32 v48, v1;
	v61 =	vadd.f32 v61, v36;
	[tilespmem:v53+s19+$0x0] =	vst.idx.msk $0xffff, v63  }
0x242: {  	v58 =	vld [tilespmem:s24+$0xFFFFFA50];
	v60 =	vadd.s32 v18, v39;
	[tilespmem:v52+s19+$0x0] =	vst.idx.msk $0xffff, v62;
	v62 =	vadd.f32 v54, v36  }
0x243: {  	v45 =	vshll.u32 v46, v1;
	v4 =	vshll.u32 v40, v1;
	v40 =	vbroadcast v5, $0x0;
	v59 =	vld [tilespmem:s24+$0xFFFFFAD0];
	[tilespmem:v55+s19+$0x0] =	vst.idx.msk $0xffff, v61  }
0x244: {  	v46 =	vshll.u32 v47, v1;
	v63 =	vadd.f32 v56, v36;
	v56 =	vld [tilespmem:s24+$0xFFFFFBD0];
	[tilespmem:v57+s19+$0x0] =	vst.idx.msk $0xffff, v62  }
0x245: {  	v50 =	vshll.u32 v42, v1;
	v42 =	vbroadcast v6, $0x0;
	v5 =	vadd.s32 v22, v40;
	v25 =	vld [tilespmem:$0x1FF20]  }
0x246: {  	v51 =	vshll.u32 v43, v1;
	v43 =	vbroadcast v44, $0x0;
	v44 =	vbroadcast v45, $0x0;
	v52 =	vld [tilespmem:s24+$0xFFFFFB50]  }
0x247: {  	v45 =	vbroadcast v46, $0x0;
	v46 =	vbroadcast v49, $0x0;
	v53 =	vadd.s32 v26, v42;
	[tilespmem:v60+s19+$0x0] =	vst.idx.msk $0xffff, v63;
	v60 =	vld [tilespmem:s24+$0xFFFFFCD0]  }
0x248: {  	v47 =	vadd.f32 v58, v36;
	v48 =	vadd.f32 v59, v36;
	v59 =	vadd.s32 v9, v44;
	v54 =	vld [tilespmem:s24+$0xFFFFFFE0]  }
0x249: {  	v6 =	vadd.s32 v10, v46;
	v57 =	vld [tilespmem:s24+$0xFFFFFC50]  }
0x24a: {  	v55 =	vadd.s32 v30, v43;
	[tilespmem:v5+s19+$0x0] =	vst.idx.msk $0xffff, v47;
	v47 =	vbroadcast v50, $0x0;
	v58 =	vadd.s32 v25, v3  }
0x24b: {  	v61 =	vld [tilespmem:s24+$0xFFFFFD50];
	v10 =	vadd.f32 v56, v36;
	v5 =	vadd.f32 v52, v36;
	v52 =	vadd.s32 v7, v45  }
0x24c: {  	[tilespmem:v53+s19+$0x0] =	vst.idx.msk $0xffff, v48;
	v53 =	vld [tilespmem:s24+$0xFFFFFDD0];
	v48 =	vbroadcast v51, $0x0;
	v50 =	vbroadcast v2, $0x0;
	v2 =	vadd.f32 v60, v36  }
0x24d: {  	v49 =	vbroadcast v0, $0x0;
	v62 =	vld [tilespmem:s24+$0xFFFFFE50];
	[tilespmem:v59+s19+$0x0] =	vst.idx.msk $0xffff, v10;
	v9 =	vadd.f32 v54, v35;
	v54 =	vadd.s32 v14, v47  }
0x24e: {  	v63 =	vld [tilespmem:s24+$0xFFFFFED0];
	v56 =	vadd.s32 v18, v48;
	v0 =	vadd.f32 v57, v36;
	[tilespmem:v6+s19+$0x0] =	vst.idx.msk $0xffff, v2  }
0x24f: {  	v2 =	vld [tilespmem:s24+$0xFFFFF8E0];
	[tilespmem:v58+s19+$0x0] =	vst.idx.msk $0xffff, v9;
	v9 =	vadd.s32 v22, v49  }
0x250: {  	v51 =	vbroadcast v4, $0x0;
	v59 =	vld [tilespmem:s24+$0xFFFFFF50];
	[tilespmem:v52+s19+$0x0] =	vst.idx.msk $0xffff, v0;
	v0 =	vadd.f32 v61, v36;
	v52 =	vadd.s32 v26, v50  }
0x251: {  	v4 =	vadd.s32 v11, v38;
	[tilespmem:v55+s19+$0x0] =	vst.idx.msk $0xffff, v5;
	v10 =	vadd.f32 v53, v36;
	v58 =	vld [tilespmem:s24+$0xFFFFFFF0]  }
0x252: {  	v62 =	vadd.f32 v62, v36;
	[tilespmem:v54+s19+$0x0] =	vst.idx.msk $0xffff, v0;
	v0 =	vld [tilespmem:s24+$0xFFFFF960];
	v54 =	vadd.s32 v30, v51  }
0x253: {  	v55 =	vld [tilespmem:s24+$0xFFFFF9E0];
	v60 =	vadd.s32 v29, v3;
	v63 =	vadd.f32 v63, v36;
	[tilespmem:v56+s19+$0x0] =	vst.idx.msk $0xffff, v10  }
0x254: {  	v10 =	vld [tilespmem:s24+$0xFFFFFA60];
	v2 =	vadd.f32 v2, v35;
	[tilespmem:v9+s19+$0x0] =	vst.idx.msk $0xffff, v62;
	v9 =	vadd.s32 v15, v41  }
0x255: {  	[tilespmem:v52+s19+$0x0] =	vst.idx.msk $0xffff, v63;
	v52 =	vadd.s32 v19, v39;
	v62 =	vadd.f32 v59, v36  }
0x256: {  	v6 =	vadd.s32 v23, v40;
	[tilespmem:v4+s19+$0x0] =	vst.idx.msk $0xffff, v2;
	v61 =	vadd.f32 v58, v34  }
0x257: {  	v0 =	vadd.f32 v0, v35;
	[tilespmem:v54+s19+$0x0] =	vst.idx.msk $0xffff, v62  }
0x258: {  	v2 =	vadd.f32 v55, v35;
	[tilespmem:v60+s19+$0x0] =	vst.idx.msk $0xffff, v61  }
0x259: {  	v63 =	vld [tilespmem:s24+$0xFFFFFAE0];
	[tilespmem:v9+s19+$0x0] =	vst.idx.msk $0xffff, v0;
	v0 =	vadd.f32 v10, v35  }
0x25a: {  	v9 =	vld [tilespmem:$0x1FE90];
	[tilespmem:v52+s19+$0x0] =	vst.idx.msk $0xffff, v2  }
0x25b: {  	v60 =	vld [tilespmem:s24+$0xFFFFFB60];
	[tilespmem:v6+s19+$0x0] =	vst.idx.msk $0xffff, v0  }
0x25c: {  	v7 =	vld [tilespmem:$0x1FE60]  }
0x25d: {  	v61 =	vadd.s32 v27, v42;
	v54 =	vld [tilespmem:s24+$0x0]  }
0x25e: {  	v4 =	vadd.s32 v31, v43;
	v62 =	vld [tilespmem:s24+$0xFFFFFBE0]  }
0x25f: {  	v5 =	vld [tilespmem:s24+$0xFFFFFC60];
	v3 =	vadd.s32 v9, v3  }
0x260: {  	v2 =	vadd.f32 v63, v35;
	v52 =	vadd.s32 v25, v44;
	v63 =	vld [tilespmem:s24+$0xFFFFFCE0]  }
0x261: {  	v0 =	vadd.f32 v60, v35;
	v60 =	vld [tilespmem:s24+$0xFFFFFD60];
	v10 =	vadd.s32 v7, v45  }
0x262: {  	[tilespmem:v61+s19+$0x0] =	vst.idx.msk $0xffff, v2;
	v2 =	vadd.s32 v11, v46;
	v61 =	vld [tilespmem:s24+$0xFFFFFDE0];
	v54 =	vadd.f32 v54, v33  }
0x263: {  	v55 =	vld [tilespmem:s24+$0xFFFFFE60];
	[tilespmem:v4+s19+$0x0] =	vst.idx.msk $0xffff, v0;
	v0 =	vadd.f32 v62, v35;
	v62 =	vadd.s32 v15, v47  }
0x264: {  	v5 =	vadd.f32 v5, v35;
	[tilespmem:v3+s19+$0x0] =	vst.idx.msk $0xffff, v54;
	v3 =	vadd.s32 v19, v48;
	v54 =	vld [tilespmem:s24+$0xFFFFFEE0]  }
0x265: {  	v53 =	vld [tilespmem:s24+$0xFFFFFF60];
	[tilespmem:v52+s19+$0x0] =	vst.idx.msk $0xffff, v0;
	v0 =	vadd.f32 v63, v35;
	v63 =	vadd.s32 v23, v49  }
0x266: {  	v14 =	vmov v11;
	v11 =	vadd.s32 v27, v50;
	[tilespmem:v10+s19+$0x0] =	vst.idx.msk $0xffff, v5;
	v5 =	vld [tilespmem:s24+$0xFFFFF860];
	v10 =	vadd.f32 v60, v35  }
0x267: {  	[tilespmem:v2+s19+$0x0] =	vst.idx.msk $0xffff, v0;
	v0 =	vld [tilespmem:s24+$0xFFFFF8F0];
	v2 =	vadd.f32 v61, v35;
	v60 =	vadd.s32 v31, v51  }
0x268: {  	v55 =	vadd.f32 v55, v35;
	v61 =	vadd.s32 v7, v37;
	[tilespmem:v62+s19+$0x0] =	vst.idx.msk $0xffff, v10;
	v62 =	vld [tilespmem:s24+$0xFFFFF970]  }
0x269: {  	[tilespmem:v3+s19+$0x0] =	vst.idx.msk $0xffff, v2;
	v2 =	vadd.s32 v12, v38;
	v3 =	vld [tilespmem:s24+$0xFFFFF9F0];
	v54 =	vadd.f32 v54, v35  }
0x26a: {  	v53 =	vadd.f32 v53, v35;
	[tilespmem:v63+s19+$0x0] =	vst.idx.msk $0xffff, v55;
	v63 =	vadd.s32 v16, v41;
	v10 =	vld [tilespmem:s24+$0xFFFFFA70]  }
0x26b: {  	v57 =	vld [tilespmem:s24+$0xFFFFFAF0];
	v5 =	vadd.f32 v5, v35;
	[tilespmem:v11+s19+$0x0] =	vst.idx.msk $0xffff, v54;
	v11 =	vadd.s32 v20, v39  }
0x26c: {  	v58 =	vadd.s32 v24, v40;
	v59 =	vld [tilespmem:s24+$0xFFFFFB70];
	v0 =	vadd.f32 v0, v34;
	[tilespmem:v60+s19+$0x0] =	vst.idx.msk $0xffff, v53  }
0x26d: {  	[tilespmem:v61+s19+$0x0] =	vst.idx.msk $0xffff, v5;
	v60 =	vadd.f32 v62, v34;
	v61 =	vadd.s32 v28, v42;
	v62 =	vld [tilespmem:s24+$0xFFFFFBF0]  }
0x26e: {  	[tilespmem:v2+s19+$0x0] =	vst.idx.msk $0xffff, v0;
	v0 =	vadd.f32 v3, v34;
	v2 =	vadd.s32 v32, v43;
	v3 =	vld [tilespmem:s24+$0xFFFFFC70]  }
0x26f: {  	v52 =	vadd.s32 v29, v44;
	v55 =	vld [tilespmem:s24+$0xFFFFFCF0];
	v10 =	vadd.f32 v10, v34;
	[tilespmem:v63+s19+$0x0] =	vst.idx.msk $0xffff, v60  }
0x270: {  	v35 =	vadd.s32 v8, v45;
	[tilespmem:v11+s19+$0x0] =	vst.idx.msk $0xffff, v0;
	v0 =	vadd.f32 v57, v34;
	v11 =	vld [tilespmem:s24+$0xFFFFFD70]  }
0x271: {  	v36 =	vadd.s32 v12, v46;
	v53 =	vld [tilespmem:s24+$0xFFFFFDF0];
	[tilespmem:v58+s19+$0x0] =	vst.idx.msk $0xffff, v10;
	v63 =	vadd.f32 v59, v34  }
0x272: {  	v6 =	vld [tilespmem:s24+$0xFFFFFE70];
	v10 =	vadd.s32 v16, v47;
	[tilespmem:v61+s19+$0x0] =	vst.idx.msk $0xffff, v0;
	v0 =	vadd.f32 v62, v34  }
0x273: {  	v4 =	vld [tilespmem:s24+$0xFFFFFEF0];
	[tilespmem:v2+s19+$0x0] =	vst.idx.msk $0xffff, v63;
	v2 =	vadd.f32 v3, v34;
	v3 =	vadd.s32 v20, v48  }
0x274: {  	[tilespmem:v52+s19+$0x0] =	vst.idx.msk $0xffff, v0;
	v0 =	vadd.f32 v55, v34;
	v52 =	vadd.s32 v24, v49;
	v55 =	vld [tilespmem:s24+$0xFFFFFF70]  }
0x275: {  	v54 =	vadd.s32 v28, v50;
	[tilespmem:v35+s19+$0x0] =	vst.idx.msk $0xffff, v2;
	v2 =	vld [tilespmem:s24+$0xFFFFF870];
	v11 =	vadd.f32 v11, v34  }
0x276: {  	v60 =	vadd.f32 v53, v34;
	v63 =	vadd.s32 v32, v51;
	[tilespmem:v36+s19+$0x0] =	vst.idx.msk $0xffff, v0;
	v0 =	vld [tilespmem:s24+$0xFFFFF900]  }
0x277: {  	v6 =	vadd.f32 v6, v34;
	[tilespmem:v10+s19+$0x0] =	vst.idx.msk $0xffff, v11;
	v10 =	vadd.s32 v8, v37;
	v11 =	vld [tilespmem:s24+$0xFFFFF980]  }
0x278: {  	v4 =	vadd.f32 v4, v34;
	v36 =	vld [tilespmem:s24+$0xFFFFFA00];
	[tilespmem:v3+s19+$0x0] =	vst.idx.msk $0xffff, v60;
	v3 =	vadd.s32 v13, v38  }
0x279: {  	[tilespmem:v52+s19+$0x0] =	vst.idx.msk $0xffff, v6;
	v6 =	vadd.s32 v17, v41;
	v52 =	vadd.f32 v55, v34  }
0x27a: {  	[tilespmem:v54+s19+$0x0] =	vst.idx.msk $0xffff, v4;
	v54 =	vadd.s32 v21, v39;
	v2 =	vadd.f32 v2, v34  }
0x27b: {  	v38 =	vld [tilespmem:s24+$0xFFFFFA80];
	[tilespmem:v63+s19+$0x0] =	vst.idx.msk $0xffff, v52;
	v0 =	vadd.f32 v0, v33  }
0x27c: {  	v58 =	vmov v12;
	v12 =	vld [tilespmem:$0x1FFA0];
	[tilespmem:v10+s19+$0x0] =	vst.idx.msk $0xffff, v2;
	v2 =	vadd.f32 v11, v33  }
0x27d: {  	v11 =	vld [tilespmem:$0x1FFD0];
	[tilespmem:v3+s19+$0x0] =	vst.idx.msk $0xffff, v0;
	v0 =	vadd.f32 v36, v33  }
0x27e: {  	v7 =	vld [tilespmem:$0x1FF10];
	[tilespmem:v6+s19+$0x0] =	vst.idx.msk $0xffff, v2  }
0x27f: {  	v55 =	vld [tilespmem:s24+$0xFFFFFB00];
	[tilespmem:v54+s19+$0x0] =	vst.idx.msk $0xffff, v0  }
0x280: {  	v56 =	vmov v8;
	v8 =	vld [tilespmem:$0x1FF30]  }
0x281: {  	v63 =	vld [tilespmem:s24+$0xFFFFFB80];
	v60 =	vadd.s32 v12, v40  }
0x282: {  	v35 =	vld [tilespmem:s24+$0xFFFFFC00];
	v5 =	vadd.s32 v11, v42  }
0x283: {  	v36 =	vld [tilespmem:s24+$0xFFFFFC80];
	v3 =	vadd.s32 v7, v43  }
0x284: {  	v53 =	vld [tilespmem:s24+$0xFFFFFD00];
	v52 =	vadd.s32 v9, v44;
	v2 =	vadd.f32 v38, v33  }
0x285: {  	v0 =	vadd.f32 v55, v33;
	v55 =	vld [tilespmem:s24+$0xFFFFFD80];
	v54 =	vadd.s32 v8, v45  }
0x286: {  	[tilespmem:v60+s19+$0x0] =	vst.idx.msk $0xffff, v2;
	v2 =	vadd.f32 v63, v33;
	v60 =	vadd.s32 v13, v46;
	v63 =	vld [tilespmem:s24+$0xFFFFFE00]  }
0x287: {  	v9 =	vadd.s32 v17, v47;
	v10 =	vld [tilespmem:s24+$0xFFFFFE80];
	[tilespmem:v5+s19+$0x0] =	vst.idx.msk $0xffff, v0;
	v0 =	vadd.f32 v35, v33  }
0x288: {  	[tilespmem:v3+s19+$0x0] =	vst.idx.msk $0xffff, v2;
	v2 =	vadd.f32 v36, v33;
	v3 =	vadd.s32 v21, v48;
	v48 =	vld [tilespmem:s24+$0xFFFFFF00]  }
0x289: {  	v49 =	vadd.s32 v12, v49;
	[tilespmem:v52+s19+$0x0] =	vst.idx.msk $0xffff, v0;
	v0 =	vadd.f32 v53, v33;
	v52 =	vld [tilespmem:s24+$0xFFFFFF80]  }
0x28a: {  	v53 =	vadd.f32 v55, v33;
	[tilespmem:v54+s19+$0x0] =	vst.idx.msk $0xffff, v2;
	v2 =	vld [tilespmem:s24+$0xFFFFF880];
	v54 =	vadd.s32 v11, v50  }
0x28b: {  	v55 =	vadd.s32 v7, v51;
	[tilespmem:v60+s19+$0x0] =	vst.idx.msk $0xffff, v0;
	v0 =	vadd.f32 v63, v33  }
0x28c: {  	[tilespmem:v9+s19+$0x0] =	vst.idx.msk $0xffff, v53;
	v60 =	vadd.s32 v8, v37;
	v63 =	vadd.f32 v10, v33  }
0x28d: {  	[tilespmem:v3+s19+$0x0] =	vst.idx.msk $0xffff, v0;
	v0 =	vadd.f32 v48, v33  }
0x28e: {  	s23 =	sshll.u32 s23, $0x12;
	[tilespmem:v49+s19+$0x0] =	vst.idx.msk $0xffff, v63;
	v3 =	vadd.f32 v52, v33  }
0x28f: {  	s23 =	sor.u32 s7, s23;
	[tilespmem:v54+s19+$0x0] =	vst.idx.msk $0xffff, v0;
	v0 =	vadd.f32 v2, v33  }
0x290: {  	s23 =	sshrl.u32 s23, $0x3;
	[tilespmem:v55+s19+$0x0] =	vst.idx.msk $0xffff, v3  }
0x291: {  	s26 =	simm.s32 $0x10600;
	s24 =	sadd.s32 s1, s23;
	[tilespmem:v60+s19+$0x0] =	vst.idx.msk $0xffff, v0  }
0x292: {  	[hbm4b:s24+s3] =	stream.linear.scatter [tilespmem:s26], [sflag:$0x4], $0x80, $0x38;
	[tilespmem:$0x15A00] =	vst v63  }
0x293: {  	s29 =	simm.s32 $0x10688;
	s25 =	sadd.s32 $0x10, s24  }
0x294: {  	[hbm4b:s25+s3] =	stream.linear.scatter [tilespmem:s29], [sflag:$0x4], $0x80, $0x38;
	[tilespmem:$0x15A00] =	vst v63  }
0x295: {  	s30 =	simm.s32 $0x10710;
	s23 =	simm.s32 $0x440;
	s31 =	sadd.s32 $0x20, s24  }
0x296: {  	[hbm4b:s31+s3] =	stream.linear.scatter [tilespmem:s30], [sflag:$0x4], $0x80, $0x38;
	[tilespmem:$0x15A00] =	vst v63  }
0x297: {  	s28 =	sadd.s32 $0x70, s24;
	s26 =	simm.s32 $0x10798;
	s29 =	sadd.s32 $0x30, s24  }
0x298: {  	[hbm4b:s29+s3] =	stream.linear.scatter [tilespmem:s26], [sflag:$0x4], $0x80, $0x38;
	[tilespmem:$0x15A00] =	vst v63  }
0x299: {  	s25 =	simm.s32 $0x2200;
	s30 =	simm.s32 $0x10820;
	s31 =	sadd.s32 $0x40, s24  }
0x29a: {  	[hbm4b:s31+s3] =	stream.linear.scatter [tilespmem:s30], [sflag:$0x4], $0x80, $0x38;
	[tilespmem:$0x15A00] =	vst v63  }
0x29b: {  	v18 =	vmov v15;
	s26 =	simm.s32 $0x108A8;
	s29 =	sadd.s32 $0x50, s24;
	s30 =	simm.s32 $0x10930  }
0x29c: {  	v26 =	vmovc v23;
	v30 =	vmovc v27;
	v22 =	vmov v19;
	v15 =	vmov v16;
	v19 =	vmov v31;
	[hbm4b:s29+s3] =	stream.linear.scatter [tilespmem:s26], [sflag:$0x4], $0x80, $0x38;
	[tilespmem:$0x15A00] =	vst v63  }
0x29d: {  	v59 =	vmovc v32;
	v57 =	vmovc v24;
	v62 =	vmov v20;
	v61 =	vmov v28;
	v41 =	vmov v13;
	s31 =	sadd.s32 $0x60, s24;
	s24 =	sadd.s32 $0x1000, s24;
	s26 =	simm.s32 $0x109B8  }
0x29e: {  	v23 =	vmovc v12;
	v42 =	vmovc v17;
	v43 =	vmov v21;
	v45 =	vmov v11;
	v40 =	vmov v8;
	[hbm4b:s31+s3] =	stream.linear.scatter [tilespmem:s30], [sflag:$0x4], $0x80, $0x38;
	[tilespmem:$0x15A00] =	vst v63  }
.LBB2_13:
0x29f: {  	[hbm4b:s28+s3] =	stream.linear.scatter [tilespmem:s26], [sflag:$0x4], $0x80, $0x38;
	[tilespmem:$0x15A00] =	vst v63  }
0x2a0: {  	s26 =	smov.u32 s23;
	s23 =	smov.u32 s25  }
0x2a1: {  	s29 =	sadd.s32 $0x1100, s25;
	s23 =	sshra.s32 s23, $0x2;
	s28 =	sadd.s32 $0x10600, s26  }
0x2a2: {  	[hbm4b:s24+s3] =	stream.linear.scatter [tilespmem:s28], [sflag:$0x4], $0x80, $0x38;
	[tilespmem:$0x15A00] =	vst v63  }
0x2a3: {  	p0 =	sne.s32 s25, $0x7700;
	s25 =	sadd.s32 $0x10688, s26;
	s28 =	sadd.s32 $0x10, s24  }
0x2a4: {  	[hbm4b:s28+s3] =	stream.linear.scatter [tilespmem:s25], [sflag:$0x4], $0x80, $0x38;
	[tilespmem:$0x15A00] =	vst v63  }
0x2a5: {  	s25 =	sadd.s32 $0x10710, s26;
	s28 =	sadd.s32 $0x20, s24  }
0x2a6: {  	[hbm4b:s28+s3] =	stream.linear.scatter [tilespmem:s25], [sflag:$0x4], $0x80, $0x38;
	[tilespmem:$0x15A00] =	vst v63  }
0x2a7: {  	s25 =	sadd.s32 $0x10798, s26;
	s28 =	sadd.s32 $0x30, s24  }
0x2a8: {  	[hbm4b:s28+s3] =	stream.linear.scatter [tilespmem:s25], [sflag:$0x4], $0x80, $0x38;
	[tilespmem:$0x15A00] =	vst v63  }
0x2a9: {  	s25 =	sadd.s32 $0x10820, s26;
	s28 =	sadd.s32 $0x40, s24  }
0x2aa: {  	[hbm4b:s28+s3] =	stream.linear.scatter [tilespmem:s25], [sflag:$0x4], $0x80, $0x38;
	[tilespmem:$0x15A00] =	vst v63  }
.Ltmp6:
0x2ab: {  	s25 =	sadd.s32 $0x108A8, s26;
	s28 =	sadd.s32 $0x50, s24;
	(pc) =	sbr.rel @p0 .LBB2_13-.Ltmp6, $4  }
0x2ac: {  	[hbm4b:s28+s3] =	stream.linear.scatter [tilespmem:s25], [sflag:$0x4], $0x80, $0x38;
	[tilespmem:$0x15A00] =	vst v63  }
0x2ad: {  	s25 =	sadd.s32 $0x10930, s26;
	s28 =	sadd.s32 $0x60, s24;
	s26 =	sadd.s32 $0x109B8, s26  }
0x2ae: {  	[hbm4b:s28+s3] =	stream.linear.scatter [tilespmem:s25], [sflag:$0x4], $0x80, $0x38;
	[tilespmem:$0x15A00] =	vst v63  }
0x2af: {  	s28 =	sadd.s32 $0x70, s24;
	s24 =	sadd.s32 $0x1000, s24;
	s25 =	smov.u32 s29  }
0x2b0: {  	[hbm4b:s28+s3] =	stream.linear.scatter [tilespmem:s26], [sflag:$0x4], $0x80, $0x38;
	[tilespmem:$0x15A00] =	vst v63  }
0x2b1: {  	s25 =	sadd.s32 $0x10600, s23  }
0x2b2: {  	[hbm4b:s24+s3] =	stream.linear.scatter [tilespmem:s25], [sflag:$0x4], $0x80, $0x38;
	[tilespmem:$0x15A00] =	vst v63  }
0x2b3: {  	s30 =	sadd.s32 $0x10688, s23;
	s31 =	sadd.s32 $0x10, s24  }
0x2b4: {  	[hbm4b:s31+s3] =	stream.linear.scatter [tilespmem:s30], [sflag:$0x4], $0x80, $0x38;
	[tilespmem:$0x15A00] =	vst v63  }
0x2b5: {  	s28 =	sadd.s32 $0x10710, s23;
	s29 =	sadd.s32 $0x20, s24  }
0x2b6: {  	[hbm4b:s29+s3] =	stream.linear.scatter [tilespmem:s28], [sflag:$0x4], $0x80, $0x38;
	[tilespmem:$0x15A00] =	vst v63  }
0x2b7: {  	s30 =	sadd.s32 $0x10798, s23;
	s31 =	sadd.s32 $0x30, s24  }
0x2b8: {  	[hbm4b:s31+s3] =	stream.linear.scatter [tilespmem:s30], [sflag:$0x4], $0x80, $0x38;
	[tilespmem:$0x15A00] =	vst v63  }
0x2b9: {  	s22 =	sadd.s32 $0x1, s22;
	v11 =	vld [tilespmem:$0x1FEA0];
	s28 =	sadd.s32 $0x10820, s23;
	s29 =	sadd.s32 $0x40, s24  }
0x2ba: {  	v13 =	vld [tilespmem:$0x1FEB0];
	[hbm4b:s29+s3] =	stream.linear.scatter [tilespmem:s28], [sflag:$0x4], $0x80, $0x38  }
0x2bb: {  	v9 =	vld [tilespmem:$0x1FEC0];
	p0 =	sne.s32 s22, $0x64;
	s30 =	sadd.s32 $0x108A8, s23;
	s31 =	sadd.s32 $0x50, s24  }
0x2bc: {  	v2 =	vld [tilespmem:$0x1FED0];
	[hbm4b:s31+s3] =	stream.linear.scatter [tilespmem:s30], [sflag:$0x4], $0x80, $0x38  }
.Ltmp7:
0x2bd: {  	v21 =	vld [tilespmem:$0x1FEE0];
	(pc) =	sbr.rel @p0 .LBB2_2-.Ltmp7, $4  }
0x2be: {  	v31 =	vld [tilespmem:$0x1FEF0];
	s28 =	sadd.s32 $0x10930, s23;
	s29 =	sadd.s32 $0x60, s24  }
0x2bf: {  	v17 =	vmov v56;
	v3 =	vmov v40;
	v6 =	vld [tilespmem:$0x1FF00];
	[hbm4b:s29+s3] =	stream.linear.scatter [tilespmem:s28], [sflag:$0x4], $0x80, $0x38  }
0x2c0: {  	v4 =	vmovc v58;
	v5 =	vmovc v41;
	v12 =	vmov v18;
	v16 =	vmov v42;
	v20 =	vmov v62;
	v7 =	vld [tilespmem:$0x1FF10];
	s30 =	sadd.s32 $0x109B8, s23;
	s31 =	sadd.s32 $0x70, s24  }
0x2c1: {  	v18 =	vmovc v43;
	v24 =	vmovc v57;
	v28 =	vmov v61;
	v27 =	vmov v45;
	v32 =	vmov v59;
	v8 =	vld [tilespmem:$0x1FF20];
	[hbm4b:s31+s3] =	stream.linear.scatter [tilespmem:s30], [sflag:$0x4], $0x80, $0x38  }
0x2c2: {  	s21 =	sadd.s32 $0x1, s21  }
0x2c3: {  	_ =	swait.ge [sflag:s20], $0x2000;
	p0 =	sne.s32 s21, s8  }
.Ltmp8:
0x2c4: {  	[sflag:s20] =	ssyncset.done $0x0;
	(pc) =	sbr.rel @p0 .LBB2_1-.Ltmp8, $4  }
0x2c5: {  	[sflag:s20] =	ssyncadd.s32 $0xFFFFE000  }
0x2c6: {  	_ =	swait.ge [sflag:s18], $0x2000  }
0x2c7: {  	[sflag:s18] =	ssyncset.done $0x0  }
0x2c8: {  	[sflag:s18] =	ssyncadd.s32 $0xFFFFE000  }
0x2c9: {  	_ =	sfence.sel $0x180000  }
0x2ca: {  	[bflag:$0x0] =	sbarrier.arrive $0xFFFF  }
0x2cb: {  	p0 =	sne.s32 s2, $0x0;
	_ =	strace $0x90000047  }
0x2cc: {  	s0 =	sadd.s32 @!p0 $0x100000, s0;
	[bflag:$0x2] =	sbarrier.arrive $0xFFFF  }
0x2cd: {  	[sflag:s0] =	ssyncadd.tile.s32 @!p0 $0x1;
	_ =	shalt  }
.Lfunc_end2:
_tile_overlayer_lowered:
.L_overlay_start_2:
0x2ce: {  	(tag) =	ssettag $0x2  }
0x2cf: {  	s0 =	rddreg [dreg:$0x0];
	s2 =	stileid.u32  }
0x2d0: {  	s1 =	rddreg [dreg:$0x1];
	p0 =	sne.s32 s2, $0x0  }
0x2d1: {  	s3 =	rddreg [dreg:$0x2];
	[bflag:$0x3] =	sbarrier.arrive $0xFFFF;
	s2 =	simm.s32 @!p0 $0x1C05  }
0x2d2: {  	[timem:s3], [sflag:s2] =	dma.local @!p0 [hbm:s0], s1  }
0x2d3: {  	s0 =	simm.s32 @!p0 $0x5  }
0x2d4: {  	_ =	swait.ge @!p0 [sflag:s0], s1  }
0x2d5: {  	s1 =	ssub.s32 @!p0 $0x0, s1;
	[sflag:s0] =	ssyncset.done @!p0 $0x0  }
0x2d6: {  	[sflag:s0] =	ssyncadd.s32 @!p0 s1  }
0x2d7: {  	[bflag:$0x3] =	sbarrier.arrive $0xFFFF  }
0x2d8: {  	_ =	shalt  }

</sc_bundles>
